<compile_context>
chip_gen: v7x
topology: tpu7x:2x2x1
jax: 0.10.2.dev20260603
libtpu: 0.0.44.dev20260713+nightly
codegen_flags: <defaults>
</compile_context>

<pallas_src>
import functools

import jax
from jax import lax
from jax.experimental import pallas as pl
from jax.experimental.pallas import tpu as pltpu
from jax.experimental.pallas import tpu_sc as plsc

_SC_INFO = plsc.get_sparse_core_info()
_NC = _SC_INFO.num_cores
_NS = _SC_INFO.num_subcores
_NW = _NC * _NS

_CHUNK = 16
_NBUF = 3


def _make_sc_copy(S, D, dtype):
    rows_per_w = S // _NW
    nsteps = rows_per_w // _CHUNK

    mesh = plsc.VectorSubcoreMesh(core_axis_name="c", subcore_axis_name="s")

    @functools.partial(
        pl.kernel,
        mesh=mesh,
        out_type=jax.ShapeDtypeStruct((1, S, D), dtype),
        scratch_types=[
            pltpu.VMEM((_NBUF, _CHUNK, D), dtype),
            pltpu.SemaphoreType.DMA((_NBUF,)),
            pltpu.SemaphoreType.DMA((_NBUF,)),
        ],
    )
    def sc_copy(w_hbm, o_hbm, buf, in_sem, out_sem):
        wid = lax.axis_index("s") * _NC + lax.axis_index("c")
        base = wid * _CHUNK
        stride = _NW * _CHUNK

        def in_copy(step, slot):
            return pltpu.make_async_copy(
                w_hbm.at[pl.ds(base + step * stride, _CHUNK)],
                buf.at[slot],
                in_sem.at[slot],
            )

        def out_copy(step, slot):
            return pltpu.make_async_copy(
                buf.at[slot],
                o_hbm.at[0, pl.ds(base + step * stride, _CHUNK)],
                out_sem.at[slot],
            )

        for s in range(min(_NBUF, nsteps)):
            in_copy(s, s).start()
        for step in range(nsteps):
            slot = step % _NBUF
            in_copy(step, slot).wait()
            out_copy(step, slot).start()
            nxt = step + _NBUF
            if nxt < nsteps:
                out_copy(step, slot).wait()
                in_copy(nxt, slot).start()
        for step in range(max(nsteps - _NBUF, 0), nsteps):
            out_copy(step, step % _NBUF).wait()

    return sc_copy


def kernel(embedding_weight, seq_len):
    del seq_len
    S, D = embedding_weight.shape
    return _make_sc_copy(S, D, embedding_weight.dtype)(embedding_weight)

# --- scband reference (transcript-rebuilt; emitter-appended) ---
"""Pipeline reference for scband-matryoshka-positional-embedding-16518444220788 (READ-ONLY COPY).

The authoritative reference and input builder live on the scoring server;
editing this copy changes nothing except your own understanding.
"""

import jax, jax.numpy as jnp
import numpy as np

SEQ_LEN_MAX = 8192
D_MODEL = 2048

def setup_inputs(seed: int = 0) -> dict:
    key = jax.random.key(seed)
    k_emb, = jax.random.split(key, 1)
    embedding_weight = jax.random.normal(k_emb, (SEQ_LEN_MAX, D_MODEL), dtype=jnp.float32) * 0.02
    return {"embedding_weight": embedding_weight, "seq_len": 8192}

def reference(embedding_weight, seq_len):
    # positions = arange(seq_len); gather rows from the positional embedding table
    positions = jnp.arange(embedding_weight.shape[0]) + seq_len * 0
    embeddings = jnp.take(embedding_weight, positions, axis=0)[None, :, :]
    # bandwidth_ratio = 1.0 (default) -> no truncation of the feature dim
    return embeddings

if __name__ == "__main__":
    import jax
    _d = setup_inputs()
    print(jax.jit(kernel)(*tuple(_d.values())))

</pallas_src>

<mosaic_0001>
#map = affine_map<(d0, d1) -> (0, 0)>
#map1 = affine_map<(d0, d1) -> (0, 0, 0)>
module attributes {stable_mosaic.version = 14 : i64} {
  func.func @sc_copy(%arg0: i32, %arg1: i32, %arg2: memref<8192x2048xf32, #tpu.memory_space<hbm>>, %arg3: memref<1x8192x2048xf32, #tpu.memory_space<hbm>>, %arg4: memref<3x16x2048xf32, #tpu.memory_space<vmem>>, %arg5: memref<3x!tpu.dma_semaphore, #tpu.memory_space<semaphore_mem>>, %arg6: memref<3x!tpu.dma_semaphore, #tpu.memory_space<semaphore_mem>>) attributes {dimension_semantics = [#tpu.dimension_semantics<core_parallel>, #tpu.dimension_semantics<subcore_parallel>], iteration_bounds = array<i64: 2, 16>, scalar_prefetch = 0 : i64, scratch_operands = 3 : i64, tpu.core_type = #tpu.core_type<sc_vector_subcore>, window_params = [{transform_indices = #map}, {transform_indices = #map1}]} {
    %mul3A = arith.constant 2 : i32
    %mul3A_0 = arith.muli %arg1, %mul3A : i32
    %add3A = arith.addi %mul3A_0, %arg0 : i32
    %mul3A_1 = arith.constant 16 : i32
    %mul3A_2 = arith.muli %add3A, %mul3A_1 : i32
    %add3A_3 = arith.constant 0 : i32
    %add3A_4 = arith.addi %mul3A_2, %add3A_3 : i32
    %dma_start3A = arith.constant 0 : i32
    %dma_start3A_5 = arith.constant 0 : i32
    %dma_start3A_6 = arith.constant 0 : i32
    %dma_start3A_7 = arith.constant 0 : i32
    %dma_start3A_8 = tpu.memref_slice %arg4[%dma_start3A, %dma_start3A_6, %dma_start3A_7] : memref<3x16x2048xf32, #tpu.memory_space<vmem>> -> memref<1x16x2048xf32, #tpu.memory_space<vmem>>
    %dma_start3A_9 = tpu.memref_squeeze %dma_start3A_8 : memref<1x16x2048xf32, #tpu.memory_space<vmem>> -> memref<16x2048xf32, #tpu.memory_space<vmem>>
    %dma_start3A_10 = arith.constant 0 : i32
    %dma_start3A_11 = tpu.memref_slice %arg2[%add3A_4, %dma_start3A_10] : memref<8192x2048xf32, #tpu.memory_space<hbm>> -> memref<16x2048xf32, #tpu.memory_space<hbm>>
    %dma_start3A_12 = tpu.memref_slice %arg5[%dma_start3A_5] : memref<3x!tpu.dma_semaphore, #tpu.memory_space<semaphore_mem>> -> memref<1x!tpu.dma_semaphore, #tpu.memory_space<semaphore_mem>>
    %dma_start3A_13 = tpu.memref_squeeze %dma_start3A_12 : memref<1x!tpu.dma_semaphore, #tpu.memory_space<semaphore_mem>> -> memref<!tpu.dma_semaphore, #tpu.memory_space<semaphore_mem>>
    %dma_start3A_14 = arith.constant 0 : i32
    %dma_start3A_15 = arith.constant 0 : i32
    %dma_start3A_16 = tpu.memref_slice %arg4[%dma_start3A, %dma_start3A_14, %dma_start3A_15] : memref<3x16x2048xf32, #tpu.memory_space<vmem>> -> memref<1x16x2048xf32, #tpu.memory_space<vmem>>
    %dma_start3A_17 = tpu.memref_squeeze %dma_start3A_16 : memref<1x16x2048xf32, #tpu.memory_space<vmem>> -> memref<16x2048xf32, #tpu.memory_space<vmem>>
    %dma_start3A_18 = arith.constant 0 : i32
    %dma_start3A_19 = tpu.memref_slice %arg2[%add3A_4, %dma_start3A_18] : memref<8192x2048xf32, #tpu.memory_space<hbm>> -> memref<16x2048xf32, #tpu.memory_space<hbm>>
    tpu.enqueue_dma source(%dma_start3A_19 : memref<16x2048xf32, #tpu.memory_space<hbm>>) target(%dma_start3A_17 : memref<16x2048xf32, #tpu.memory_space<vmem>>) target_semaphore(%dma_start3A_13 : memref<!tpu.dma_semaphore, #tpu.memory_space<semaphore_mem>>)
    %add3A_20 = arith.constant 512 : i32
    %add3A_21 = arith.addi %mul3A_2, %add3A_20 : i32
    %dma_start3A_22 = arith.constant 1 : i32
    %dma_start3A_23 = arith.constant 1 : i32
    %dma_start3A_24 = arith.constant 0 : i32
    %dma_start3A_25 = arith.constant 0 : i32
    %dma_start3A_26 = tpu.memref_slice %arg4[%dma_start3A_22, %dma_start3A_24, %dma_start3A_25] : memref<3x16x2048xf32, #tpu.memory_space<vmem>> -> memref<1x16x2048xf32, #tpu.memory_space<vmem>>
    %dma_start3A_27 = tpu.memref_squeeze %dma_start3A_26 : memref<1x16x2048xf32, #tpu.memory_space<vmem>> -> memref<16x2048xf32, #tpu.memory_space<vmem>>
    %dma_start3A_28 = arith.constant 0 : i32
    %dma_start3A_29 = tpu.memref_slice %arg2[%add3A_21, %dma_start3A_28] : memref<8192x2048xf32, #tpu.memory_space<hbm>> -> memref<16x2048xf32, #tpu.memory_space<hbm>>
    %dma_start3A_30 = tpu.memref_slice %arg5[%dma_start3A_23] : memref<3x!tpu.dma_semaphore, #tpu.memory_space<semaphore_mem>> -> memref<1x!tpu.dma_semaphore, #tpu.memory_space<semaphore_mem>>
    %dma_start3A_31 = tpu.memref_squeeze %dma_start3A_30 : memref<1x!tpu.dma_semaphore, #tpu.memory_space<semaphore_mem>> -> memref<!tpu.dma_semaphore, #tpu.memory_space<semaphore_mem>>
    %dma_start3A_32 = arith.constant 0 : i32
    %dma_start3A_33 = arith.constant 0 : i32
    %dma_start3A_34 = tpu.memref_slice %arg4[%dma_start3A_22, %dma_start3A_32, %dma_start3A_33] : memref<3x16x2048xf32, #tpu.memory_space<vmem>> -> memref<1x16x2048xf32, #tpu.memory_space<vmem>>
    %dma_start3A_35 = tpu.memref_squeeze %dma_start3A_34 : memref<1x16x2048xf32, #tpu.memory_space<vmem>> -> memref<16x2048xf32, #tpu.memory_space<vmem>>
    %dma_start3A_36 = arith.constant 0 : i32
    %dma_start3A_37 = tpu.memref_slice %arg2[%add3A_21, %dma_start3A_36] : memref<8192x2048xf32, #tpu.memory_space<hbm>> -> memref<16x2048xf32, #tpu.memory_space<hbm>>
    tpu.enqueue_dma source(%dma_start3A_37 : memref<16x2048xf32, #tpu.memory_space<hbm>>) target(%dma_start3A_35 : memref<16x2048xf32, #tpu.memory_space<vmem>>) target_semaphore(%dma_start3A_31 : memref<!tpu.dma_semaphore, #tpu.memory_space<semaphore_mem>>)
    %add3A_38 = arith.constant 1024 : i32
    %add3A_39 = arith.addi %mul3A_2, %add3A_38 : i32
    %dma_start3A_40 = arith.constant 2 : i32
    %dma_start3A_41 = arith.constant 2 : i32
    %dma_start3A_42 = arith.constant 0 : i32
    %dma_start3A_43 = arith.constant 0 : i32
    %dma_start3A_44 = tpu.memref_slice %arg4[%dma_start3A_40, %dma_start3A_42, %dma_start3A_43] : memref<3x16x2048xf32, #tpu.memory_space<vmem>> -> memref<1x16x2048xf32, #tpu.memory_space<vmem>>
    %dma_start3A_45 = tpu.memref_squeeze %dma_start3A_44 : memref<1x16x2048xf32, #tpu.memory_space<vmem>> -> memref<16x2048xf32, #tpu.memory_space<vmem>>
    %dma_start3A_46 = arith.constant 0 : i32
    %dma_start3A_47 = tpu.memref_slice %arg2[%add3A_39, %dma_start3A_46] : memref<8192x2048xf32, #tpu.memory_space<hbm>> -> memref<16x2048xf32, #tpu.memory_space<hbm>>
    %dma_start3A_48 = tpu.memref_slice %arg5[%dma_start3A_41] : memref<3x!tpu.dma_semaphore, #tpu.memory_space<semaphore_mem>> -> memref<1x!tpu.dma_semaphore, #tpu.memory_space<semaphore_mem>>
    %dma_start3A_49 = tpu.memref_squeeze %dma_start3A_48 : memref<1x!tpu.dma_semaphore, #tpu.memory_space<semaphore_mem>> -> memref<!tpu.dma_semaphore, #tpu.memory_space<semaphore_mem>>
    %dma_start3A_50 = arith.constant 0 : i32
    %dma_start3A_51 = arith.constant 0 : i32
    %dma_start3A_52 = tpu.memref_slice %arg4[%dma_start3A_40, %dma_start3A_50, %dma_start3A_51] : memref<3x16x2048xf32, #tpu.memory_space<vmem>> -> memref<1x16x2048xf32, #tpu.memory_space<vmem>>
    %dma_start3A_53 = tpu.memref_squeeze %dma_start3A_52 : memref<1x16x2048xf32, #tpu.memory_space<vmem>> -> memref<16x2048xf32, #tpu.memory_space<vmem>>
    %dma_start3A_54 = arith.constant 0 : i32
    %dma_start3A_55 = tpu.memref_slice %arg2[%add3A_39, %dma_start3A_54] : memref<8192x2048xf32, #tpu.memory_space<hbm>> -> memref<16x2048xf32, #tpu.memory_space<hbm>>
    tpu.enqueue_dma source(%dma_start3A_55 : memref<16x2048xf32, #tpu.memory_space<hbm>>) target(%dma_start3A_53 : memref<16x2048xf32, #tpu.memory_space<vmem>>) target_semaphore(%dma_start3A_49 : memref<!tpu.dma_semaphore, #tpu.memory_space<semaphore_mem>>)
    %add3A_56 = arith.constant 0 : i32
    %add3A_57 = arith.addi %mul3A_2, %add3A_56 : i32
    %dma_wait3A = arith.constant 0 : i32
    %dma_wait3A_58 = arith.constant 0 : i32
    %dma_wait3A_59 = arith.constant 0 : i32
    %dma_wait3A_60 = arith.constant 0 : i32
    %dma_wait3A_61 = tpu.memref_slice %arg4[%dma_wait3A, %dma_wait3A_59, %dma_wait3A_60] : memref<3x16x2048xf32, #tpu.memory_space<vmem>> -> memref<1x16x2048xf32, #tpu.memory_space<vmem>>
    %dma_wait3A_62 = tpu.memref_squeeze %dma_wait3A_61 : memref<1x16x2048xf32, #tpu.memory_space<vmem>> -> memref<16x2048xf32, #tpu.memory_space<vmem>>
    %dma_wait3A_63 = arith.constant 0 : i32
    %dma_wait3A_64 = tpu.memref_slice %arg2[%add3A_57, %dma_wait3A_63] : memref<8192x2048xf32, #tpu.memory_space<hbm>> -> memref<16x2048xf32, #tpu.memory_space<hbm>>
    %dma_wait3A_65 = tpu.memref_slice %arg5[%dma_wait3A_58] : memref<3x!tpu.dma_semaphore, #tpu.memory_space<semaphore_mem>> -> memref<1x!tpu.dma_semaphore, #tpu.memory_space<semaphore_mem>>
    %dma_wait3A_66 = tpu.memref_squeeze %dma_wait3A_65 : memref<1x!tpu.dma_semaphore, #tpu.memory_space<semaphore_mem>> -> memref<!tpu.dma_semaphore, #tpu.memory_space<semaphore_mem>>
    %dma_wait3A_67 = arith.constant 0 : i32
    %dma_wait3A_68 = arith.constant 0 : i32
    %dma_wait3A_69 = tpu.memref_slice %arg4[%dma_wait3A, %dma_wait3A_67, %dma_wait3A_68] : memref<3x16x2048xf32, #tpu.memory_space<vmem>> -> memref<1x16x2048xf32, #tpu.memory_space<vmem>>
    %dma_wait3A_70 = tpu.memref_squeeze %dma_wait3A_69 : memref<1x16x2048xf32, #tpu.memory_space<vmem>> -> memref<16x2048xf32, #tpu.memory_space<vmem>>
    %dma_wait3A_71 = arith.constant 0 : i32
    %dma_wait3A_72 = tpu.memref_slice %arg2[%add3A_57, %dma_wait3A_71] : memref<8192x2048xf32, #tpu.memory_space<hbm>> -> memref<16x2048xf32, #tpu.memory_space<hbm>>
    tpu.wait_dma2 semaphore(%dma_wait3A_66 : memref<!tpu.dma_semaphore, #tpu.memory_space<semaphore_mem>>) src(%dma_wait3A_72 : memref<16x2048xf32, #tpu.memory_space<hbm>>) dst(%dma_wait3A_70 : memref<16x2048xf32, #tpu.memory_space<vmem>>)
    %add3A_73 = arith.constant 0 : i32
    %add3A_74 = arith.addi %mul3A_2, %add3A_73 : i32
    %dma_start3A_75 = arith.constant 0 : i32
    %dma_start3A_76 = arith.constant 0 : i32
    %dma_start3A_77 = arith.constant 0 : i32
    %dma_start3A_78 = arith.constant 0 : i32
    %dma_start3A_79 = arith.constant 0 : i32
    %dma_start3A_80 = tpu.memref_slice %arg4[%dma_start3A_75, %dma_start3A_78, %dma_start3A_79] : memref<3x16x2048xf32, #tpu.memory_space<vmem>> -> memref<1x16x2048xf32, #tpu.memory_space<vmem>>
    %dma_start3A_81 = tpu.memref_squeeze %dma_start3A_80 : memref<1x16x2048xf32, #tpu.memory_space<vmem>> -> memref<16x2048xf32, #tpu.memory_space<vmem>>
    %dma_start3A_82 = arith.constant 0 : i32
    %dma_start3A_83 = tpu.memref_slice %arg3[%dma_start3A_76, %add3A_74, %dma_start3A_82] : memref<1x8192x2048xf32, #tpu.memory_space<hbm>> -> memref<1x16x2048xf32, #tpu.memory_space<hbm>>
    %dma_start3A_84 = tpu.memref_squeeze %dma_start3A_83 : memref<1x16x2048xf32, #tpu.memory_space<hbm>> -> memref<16x2048xf32, #tpu.memory_space<hbm>>
    %dma_start3A_85 = tpu.memref_slice %arg6[%dma_start3A_77] : memref<3x!tpu.dma_semaphore, #tpu.memory_space<semaphore_mem>> -> memref<1x!tpu.dma_semaphore, #tpu.memory_space<semaphore_mem>>
    %dma_start3A_86 = tpu.memref_squeeze %dma_start3A_85 : memref<1x!tpu.dma_semaphore, #tpu.memory_space<semaphore_mem>> -> memref<!tpu.dma_semaphore, #tpu.memory_space<semaphore_mem>>
    %dma_start3A_87 = arith.constant 0 : i32
    %dma_start3A_88 = tpu.memref_slice %arg3[%dma_start3A_76, %add3A_74, %dma_start3A_87] : memref<1x8192x2048xf32, #tpu.memory_space<hbm>> -> memref<1x16x2048xf32, #tpu.memory_space<hbm>>
    %dma_start3A_89 = tpu.memref_squeeze %dma_start3A_88 : memref<1x16x2048xf32, #tpu.memory_space<hbm>> -> memref<16x2048xf32, #tpu.memory_space<hbm>>
    %dma_start3A_90 = arith.constant 0 : i32
    %dma_start3A_91 = arith.constant 0 : i32
    %dma_start3A_92 = tpu.memref_slice %arg4[%dma_start3A_75, %dma_start3A_90, %dma_start3A_91] : memref<3x16x2048xf32, #tpu.memory_space<vmem>> -> memref<1x16x2048xf32, #tpu.memory_space<vmem>>
    %dma_start3A_93 = tpu.memref_squeeze %dma_start3A_92 : memref<1x16x2048xf32, #tpu.memory_space<vmem>> -> memref<16x2048xf32, #tpu.memory_space<vmem>>
    tpu.enqueue_dma source(%dma_start3A_93 : memref<16x2048xf32, #tpu.memory_space<vmem>>) target(%dma_start3A_89 : memref<16x2048xf32, #tpu.memory_space<hbm>>) target_semaphore(%dma_start3A_86 : memref<!tpu.dma_semaphore, #tpu.memory_space<semaphore_mem>>)
    %add3A_94 = arith.constant 0 : i32
    %add3A_95 = arith.addi %mul3A_2, %add3A_94 : i32
    %dma_wait3A_96 = arith.constant 0 : i32
    %dma_wait3A_97 = arith.constant 0 : i32
    %dma_wait3A_98 = arith.constant 0 : i32
    %dma_wait3A_99 = arith.constant 0 : i32
    %dma_wait3A_100 = arith.constant 0 : i32
    %dma_wait3A_101 = tpu.memref_slice %arg4[%dma_wait3A_96, %dma_wait3A_99, %dma_wait3A_100] : memref<3x16x2048xf32, #tpu.memory_space<vmem>> -> memref<1x16x2048xf32, #tpu.memory_space<vmem>>
    %dma_wait3A_102 = tpu.memref_squeeze %dma_wait3A_101 : memref<1x16x2048xf32, #tpu.memory_space<vmem>> -> memref<16x2048xf32, #tpu.memory_space<vmem>>
    %dma_wait3A_103 = arith.constant 0 : i32
    %dma_wait3A_104 = tpu.memref_slice %arg3[%dma_wait3A_97, %add3A_95, %dma_wait3A_103] : memref<1x8192x2048xf32, #tpu.memory_space<hbm>> -> memref<1x16x2048xf32, #tpu.memory_space<hbm>>
    %dma_wait3A_105 = tpu.memref_squeeze %dma_wait3A_104 : memref<1x16x2048xf32, #tpu.memory_space<hbm>> -> memref<16x2048xf32, #tpu.memory_space<hbm>>
    %dma_wait3A_106 = tpu.memref_slice %arg6[%dma_wait3A_98] : memref<3x!tpu.dma_semaphore, #tpu.memory_space<semaphore_mem>> -> memref<1x!tpu.dma_semaphore, #tpu.memory_space<semaphore_mem>>
    %dma_wait3A_107 = tpu.memref_squeeze %dma_wait3A_106 : memref<1x!tpu.dma_semaphore, #tpu.memory_space<semaphore_mem>> -> memref<!tpu.dma_semaphore, #tpu.memory_space<semaphore_mem>>
    %dma_wait3A_108 = arith.constant 0 : i32
    %dma_wait3A_109 = tpu.memref_slice %arg3[%dma_wait3A_97, %add3A_95, %dma_wait3A_108] : memref<1x8192x2048xf32, #tpu.memory_space<hbm>> -> memref<1x16x2048xf32, #tpu.memory_space<hbm>>
    %dma_wait3A_110 = tpu.memref_squeeze %dma_wait3A_109 : memref<1x16x2048xf32, #tpu.memory_space<hbm>> -> memref<16x2048xf32, #tpu.memory_space<hbm>>
    %dma_wait3A_111 = arith.constant 0 : i32
    %dma_wait3A_112 = arith.constant 0 : i32
    %dma_wait3A_113 = tpu.memref_slice %arg4[%dma_wait3A_96, %dma_wait3A_111, %dma_wait3A_112] : memref<3x16x2048xf32, #tpu.memory_space<vmem>> -> memref<1x16x2048xf32, #tpu.memory_space<vmem>>
    %dma_wait3A_114 = tpu.memref_squeeze %dma_wait3A_113 : memref<1x16x2048xf32, #tpu.memory_space<vmem>> -> memref<16x2048xf32, #tpu.memory_space<vmem>>
    tpu.wait_dma2 semaphore(%dma_wait3A_107 : memref<!tpu.dma_semaphore, #tpu.memory_space<semaphore_mem>>) src(%dma_wait3A_114 : memref<16x2048xf32, #tpu.memory_space<vmem>>) dst(%dma_wait3A_110 : memref<16x2048xf32, #tpu.memory_space<hbm>>)
    %add3A_115 = arith.constant 1536 : i32
    %add3A_116 = arith.addi %mul3A_2, %add3A_115 : i32
    %dma_start3A_117 = arith.constant 0 : i32
    %dma_start3A_118 = arith.constant 0 : i32
    %dma_start3A_119 = arith.constant 0 : i32
    %dma_start3A_120 = arith.constant 0 : i32
    %dma_start3A_121 = tpu.memref_slice %arg4[%dma_start3A_117, %dma_start3A_119, %dma_start3A_120] : memref<3x16x2048xf32, #tpu.memory_space<vmem>> -> memref<1x16x2048xf32, #tpu.memory_space<vmem>>
    %dma_start3A_122 = tpu.memref_squeeze %dma_start3A_121 : memref<1x16x2048xf32, #tpu.memory_space<vmem>> -> memref<16x2048xf32, #tpu.memory_space<vmem>>
    %dma_start3A_123 = arith.constant 0 : i32
    %dma_start3A_124 = tpu.memref_slice %arg2[%add3A_116, %dma_start3A_123] : memref<8192x2048xf32, #tpu.memory_space<hbm>> -> memref<16x2048xf32, #tpu.memory_space<hbm>>
    %dma_start3A_125 = tpu.memref_slice %arg5[%dma_start3A_118] : memref<3x!tpu.dma_semaphore, #tpu.memory_space<semaphore_mem>> -> memref<1x!tpu.dma_semaphore, #tpu.memory_space<semaphore_mem>>
    %dma_start3A_126 = tpu.memref_squeeze %dma_start3A_125 : memref<1x!tpu.dma_semaphore, #tpu.memory_space<semaphore_mem>> -> memref<!tpu.dma_semaphore, #tpu.memory_space<semaphore_mem>>
    %dma_start3A_127 = arith.constant 0 : i32
    %dma_start3A_128 = arith.constant 0 : i32
    %dma_start3A_129 = tpu.memref_slice %arg4[%dma_start3A_117, %dma_start3A_127, %dma_start3A_128] : memref<3x16x2048xf32, #tpu.memory_space<vmem>> -> memref<1x16x2048xf32, #tpu.memory_space<vmem>>
    %dma_start3A_130 = tpu.memref_squeeze %dma_start3A_129 : memref<1x16x2048xf32, #tpu.memory_space<vmem>> -> memref<16x2048xf32, #tpu.memory_space<vmem>>
    %dma_start3A_131 = arith.constant 0 : i32
    %dma_start3A_132 = tpu.memref_slice %arg2[%add3A_116, %dma_start3A_131] : memref<8192x2048xf32, #tpu.memory_space<hbm>> -> memref<16x2048xf32, #tpu.memory_space<hbm>>
    tpu.enqueue_dma source(%dma_start3A_132 : memref<16x2048xf32, #tpu.memory_space<hbm>>) target(%dma_start3A_130 : memref<16x2048xf32, #tpu.memory_space<vmem>>) target_semaphore(%dma_start3A_126 : memref<!tpu.dma_semaphore, #tpu.memory_space<semaphore_mem>>)
    %add3A_133 = arith.constant 512 : i32
    %add3A_134 = arith.addi %mul3A_2, %add3A_133 : i32
    %dma_wait3A_135 = arith.constant 1 : i32
    %dma_wait3A_136 = arith.constant 1 : i32
    %dma_wait3A_137 = arith.constant 0 : i32
    %dma_wait3A_138 = arith.constant 0 : i32
    %dma_wait3A_139 = tpu.memref_slice %arg4[%dma_wait3A_135, %dma_wait3A_137, %dma_wait3A_138] : memref<3x16x2048xf32, #tpu.memory_space<vmem>> -> memref<1x16x2048xf32, #tpu.memory_space<vmem>>
    %dma_wait3A_140 = tpu.memref_squeeze %dma_wait3A_139 : memref<1x16x2048xf32, #tpu.memory_space<vmem>> -> memref<16x2048xf32, #tpu.memory_space<vmem>>
    %dma_wait3A_141 = arith.constant 0 : i32
    %dma_wait3A_142 = tpu.memref_slice %arg2[%add3A_134, %dma_wait3A_141] : memref<8192x2048xf32, #tpu.memory_space<hbm>> -> memref<16x2048xf32, #tpu.memory_space<hbm>>
    %dma_wait3A_143 = tpu.memref_slice %arg5[%dma_wait3A_136] : memref<3x!tpu.dma_semaphore, #tpu.memory_space<semaphore_mem>> -> memref<1x!tpu.dma_semaphore, #tpu.memory_space<semaphore_mem>>
    %dma_wait3A_144 = tpu.memref_squeeze %dma_wait3A_143 : memref<1x!tpu.dma_semaphore, #tpu.memory_space<semaphore_mem>> -> memref<!tpu.dma_semaphore, #tpu.memory_space<semaphore_mem>>
    %dma_wait3A_145 = arith.constant 0 : i32
    %dma_wait3A_146 = arith.constant 0 : i32
    %dma_wait3A_147 = tpu.memref_slice %arg4[%dma_wait3A_135, %dma_wait3A_145, %dma_wait3A_146] : memref<3x16x2048xf32, #tpu.memory_space<vmem>> -> memref<1x16x2048xf32, #tpu.memory_space<vmem>>
    %dma_wait3A_148 = tpu.memref_squeeze %dma_wait3A_147 : memref<1x16x2048xf32, #tpu.memory_space<vmem>> -> memref<16x2048xf32, #tpu.memory_space<vmem>>
    %dma_wait3A_149 = arith.constant 0 : i32
    %dma_wait3A_150 = tpu.memref_slice %arg2[%add3A_134, %dma_wait3A_149] : memref<8192x2048xf32, #tpu.memory_space<hbm>> -> memref<16x2048xf32, #tpu.memory_space<hbm>>
    tpu.wait_dma2 semaphore(%dma_wait3A_144 : memref<!tpu.dma_semaphore, #tpu.memory_space<semaphore_mem>>) src(%dma_wait3A_150 : memref<16x2048xf32, #tpu.memory_space<hbm>>) dst(%dma_wait3A_148 : memref<16x2048xf32, #tpu.memory_space<vmem>>)
    %add3A_151 = arith.constant 512 : i32
    %add3A_152 = arith.addi %mul3A_2, %add3A_151 : i32
    %dma_start3A_153 = arith.constant 1 : i32
    %dma_start3A_154 = arith.constant 0 : i32
    %dma_start3A_155 = arith.constant 1 : i32
    %dma_start3A_156 = arith.constant 0 : i32
    %dma_start3A_157 = arith.constant 0 : i32
    %dma_start3A_158 = tpu.memref_slice %arg4[%dma_start3A_153, %dma_start3A_156, %dma_start3A_157] : memref<3x16x2048xf32, #tpu.memory_space<vmem>> -> memref<1x16x2048xf32, #tpu.memory_space<vmem>>
    %dma_start3A_159 = tpu.memref_squeeze %dma_start3A_158 : memref<1x16x2048xf32, #tpu.memory_space<vmem>> -> memref<16x2048xf32, #tpu.memory_space<vmem>>
    %dma_start3A_160 = arith.constant 0 : i32
    %dma_start3A_161 = tpu.memref_slice %arg3[%dma_start3A_154, %add3A_152, %dma_start3A_160] : memref<1x8192x2048xf32, #tpu.memory_space<hbm>> -> memref<1x16x2048xf32, #tpu.memory_space<hbm>>
    %dma_start3A_162 = tpu.memref_squeeze %dma_start3A_161 : memref<1x16x2048xf32, #tpu.memory_space<hbm>> -> memref<16x2048xf32, #tpu.memory_space<hbm>>
    %dma_start3A_163 = tpu.memref_slice %arg6[%dma_start3A_155] : memref<3x!tpu.dma_semaphore, #tpu.memory_space<semaphore_mem>> -> memref<1x!tpu.dma_semaphore, #tpu.memory_space<semaphore_mem>>
    %dma_start3A_164 = tpu.memref_squeeze %dma_start3A_163 : memref<1x!tpu.dma_semaphore, #tpu.memory_space<semaphore_mem>> -> memref<!tpu.dma_semaphore, #tpu.memory_space<semaphore_mem>>
    %dma_start3A_165 = arith.constant 0 : i32
    %dma_start3A_166 = tpu.memref_slice %arg3[%dma_start3A_154, %add3A_152, %dma_start3A_165] : memref<1x8192x2048xf32, #tpu.memory_space<hbm>> -> memref<1x16x2048xf32, #tpu.memory_space<hbm>>
    %dma_start3A_167 = tpu.memref_squeeze %dma_start3A_166 : memref<1x16x2048xf32, #tpu.memory_space<hbm>> -> memref<16x2048xf32, #tpu.memory_space<hbm>>
    %dma_start3A_168 = arith.constant 0 : i32
    %dma_start3A_169 = arith.constant 0 : i32
    %dma_start3A_170 = tpu.memref_slice %arg4[%dma_start3A_153, %dma_start3A_168, %dma_start3A_169] : memref<3x16x2048xf32, #tpu.memory_space<vmem>> -> memref<1x16x2048xf32, #tpu.memory_space<vmem>>
    %dma_start3A_171 = tpu.memref_squeeze %dma_start3A_170 : memref<1x16x2048xf32, #tpu.memory_space<vmem>> -> memref<16x2048xf32, #tpu.memory_space<vmem>>
    tpu.enqueue_dma source(%dma_start3A_171 : memref<16x2048xf32, #tpu.memory_space<vmem>>) target(%dma_start3A_167 : memref<16x2048xf32, #tpu.memory_space<hbm>>) target_semaphore(%dma_start3A_164 : memref<!tpu.dma_semaphore, #tpu.memory_space<semaphore_mem>>)
    %add3A_172 = arith.constant 512 : i32
    %add3A_173 = arith.addi %mul3A_2, %add3A_172 : i32
    %dma_wait3A_174 = arith.constant 1 : i32
    %dma_wait3A_175 = arith.constant 0 : i32
    %dma_wait3A_176 = arith.constant 1 : i32
    %dma_wait3A_177 = arith.constant 0 : i32
    %dma_wait3A_178 = arith.constant 0 : i32
    %dma_wait3A_179 = tpu.memref_slice %arg4[%dma_wait3A_174, %dma_wait3A_177, %dma_wait3A_178] : memref<3x16x2048xf32, #tpu.memory_space<vmem>> -> memref<1x16x2048xf32, #tpu.memory_space<vmem>>
    %dma_wait3A_180 = tpu.memref_squeeze %dma_wait3A_179 : memref<1x16x2048xf32, #tpu.memory_space<vmem>> -> memref<16x2048xf32, #tpu.memory_space<vmem>>
    %dma_wait3A_181 = arith.constant 0 : i32
    %dma_wait3A_182 = tpu.memref_slice %arg3[%dma_wait3A_175, %add3A_173, %dma_wait3A_181] : memref<1x8192x2048xf32, #tpu.memory_space<hbm>> -> memref<1x16x2048xf32, #tpu.memory_space<hbm>>
    %dma_wait3A_183 = tpu.memref_squeeze %dma_wait3A_182 : memref<1x16x2048xf32, #tpu.memory_space<hbm>> -> memref<16x2048xf32, #tpu.memory_space<hbm>>
    %dma_wait3A_184 = tpu.memref_slice %arg6[%dma_wait3A_176] : memref<3x!tpu.dma_semaphore, #tpu.memory_space<semaphore_mem>> -> memref<1x!tpu.dma_semaphore, #tpu.memory_space<semaphore_mem>>
    %dma_wait3A_185 = tpu.memref_squeeze %dma_wait3A_184 : memref<1x!tpu.dma_semaphore, #tpu.memory_space<semaphore_mem>> -> memref<!tpu.dma_semaphore, #tpu.memory_space<semaphore_mem>>
    %dma_wait3A_186 = arith.constant 0 : i32
    %dma_wait3A_187 = tpu.memref_slice %arg3[%dma_wait3A_175, %add3A_173, %dma_wait3A_186] : memref<1x8192x2048xf32, #tpu.memory_space<hbm>> -> memref<1x16x2048xf32, #tpu.memory_space<hbm>>
    %dma_wait3A_188 = tpu.memref_squeeze %dma_wait3A_187 : memref<1x16x2048xf32, #tpu.memory_space<hbm>> -> memref<16x2048xf32, #tpu.memory_space<hbm>>
    %dma_wait3A_189 = arith.constant 0 : i32
    %dma_wait3A_190 = arith.constant 0 : i32
    %dma_wait3A_191 = tpu.memref_slice %arg4[%dma_wait3A_174, %dma_wait3A_189, %dma_wait3A_190] : memref<3x16x2048xf32, #tpu.memory_space<vmem>> -> memref<1x16x2048xf32, #tpu.memory_space<vmem>>
    %dma_wait3A_192 = tpu.memref_squeeze %dma_wait3A_191 : memref<1x16x2048xf32, #tpu.memory_space<vmem>> -> memref<16x2048xf32, #tpu.memory_space<vmem>>
    tpu.wait_dma2 semaphore(%dma_wait3A_185 : memref<!tpu.dma_semaphore, #tpu.memory_space<semaphore_mem>>) src(%dma_wait3A_192 : memref<16x2048xf32, #tpu.memory_space<vmem>>) dst(%dma_wait3A_188 : memref<16x2048xf32, #tpu.memory_space<hbm>>)
    %add3A_193 = arith.constant 2048 : i32
    %add3A_194 = arith.addi %mul3A_2, %add3A_193 : i32
    %dma_start3A_195 = arith.constant 1 : i32
    %dma_start3A_196 = arith.constant 1 : i32
    %dma_start3A_197 = arith.constant 0 : i32
    %dma_start3A_198 = arith.constant 0 : i32
    %dma_start3A_199 = tpu.memref_slice %arg4[%dma_start3A_195, %dma_start3A_197, %dma_start3A_198] : memref<3x16x2048xf32, #tpu.memory_space<vmem>> -> memref<1x16x2048xf32, #tpu.memory_space<vmem>>
    %dma_start3A_200 = tpu.memref_squeeze %dma_start3A_199 : memref<1x16x2048xf32, #tpu.memory_space<vmem>> -> memref<16x2048xf32, #tpu.memory_space<vmem>>
    %dma_start3A_201 = arith.constant 0 : i32
    %dma_start3A_202 = tpu.memref_slice %arg2[%add3A_194, %dma_start3A_201] : memref<8192x2048xf32, #tpu.memory_space<hbm>> -> memref<16x2048xf32, #tpu.memory_space<hbm>>
    %dma_start3A_203 = tpu.memref_slice %arg5[%dma_start3A_196] : memref<3x!tpu.dma_semaphore, #tpu.memory_space<semaphore_mem>> -> memref<1x!tpu.dma_semaphore, #tpu.memory_space<semaphore_mem>>
    %dma_start3A_204 = tpu.memref_squeeze %dma_start3A_203 : memref<1x!tpu.dma_semaphore, #tpu.memory_space<semaphore_mem>> -> memref<!tpu.dma_semaphore, #tpu.memory_space<semaphore_mem>>
    %dma_start3A_205 = arith.constant 0 : i32
    %dma_start3A_206 = arith.constant 0 : i32
    %dma_start3A_207 = tpu.memref_slice %arg4[%dma_start3A_195, %dma_start3A_205, %dma_start3A_206] : memref<3x16x2048xf32, #tpu.memory_space<vmem>> -> memref<1x16x2048xf32, #tpu.memory_space<vmem>>
    %dma_start3A_208 = tpu.memref_squeeze %dma_start3A_207 : memref<1x16x2048xf32, #tpu.memory_space<vmem>> -> memref<16x2048xf32, #tpu.memory_space<vmem>>
    %dma_start3A_209 = arith.constant 0 : i32
    %dma_start3A_210 = tpu.memref_slice %arg2[%add3A_194, %dma_start3A_209] : memref<8192x2048xf32, #tpu.memory_space<hbm>> -> memref<16x2048xf32, #tpu.memory_space<hbm>>
    tpu.enqueue_dma source(%dma_start3A_210 : memref<16x2048xf32, #tpu.memory_space<hbm>>) target(%dma_start3A_208 : memref<16x2048xf32, #tpu.memory_space<vmem>>) target_semaphore(%dma_start3A_204 : memref<!tpu.dma_semaphore, #tpu.memory_space<semaphore_mem>>)
    %add3A_211 = arith.constant 1024 : i32
    %add3A_212 = arith.addi %mul3A_2, %add3A_211 : i32
    %dma_wait3A_213 = arith.constant 2 : i32
    %dma_wait3A_214 = arith.constant 2 : i32
    %dma_wait3A_215 = arith.constant 0 : i32
    %dma_wait3A_216 = arith.constant 0 : i32
    %dma_wait3A_217 = tpu.memref_slice %arg4[%dma_wait3A_213, %dma_wait3A_215, %dma_wait3A_216] : memref<3x16x2048xf32, #tpu.memory_space<vmem>> -> memref<1x16x2048xf32, #tpu.memory_space<vmem>>
    %dma_wait3A_218 = tpu.memref_squeeze %dma_wait3A_217 : memref<1x16x2048xf32, #tpu.memory_space<vmem>> -> memref<16x2048xf32, #tpu.memory_space<vmem>>
    %dma_wait3A_219 = arith.constant 0 : i32
    %dma_wait3A_220 = tpu.memref_slice %arg2[%add3A_212, %dma_wait3A_219] : memref<8192x2048xf32, #tpu.memory_space<hbm>> -> memref<16x2048xf32, #tpu.memory_space<hbm>>
    %dma_wait3A_221 = tpu.memref_slice %arg5[%dma_wait3A_214] : memref<3x!tpu.dma_semaphore, #tpu.memory_space<semaphore_mem>> -> memref<1x!tpu.dma_semaphore, #tpu.memory_space<semaphore_mem>>
    %dma_wait3A_222 = tpu.memref_squeeze %dma_wait3A_221 : memref<1x!tpu.dma_semaphore, #tpu.memory_space<semaphore_mem>> -> memref<!tpu.dma_semaphore, #tpu.memory_space<semaphore_mem>>
    %dma_wait3A_223 = arith.constant 0 : i32
    %dma_wait3A_224 = arith.constant 0 : i32
    %dma_wait3A_225 = tpu.memref_slice %arg4[%dma_wait3A_213, %dma_wait3A_223, %dma_wait3A_224] : memref<3x16x2048xf32, #tpu.memory_space<vmem>> -> memref<1x16x2048xf32, #tpu.memory_space<vmem>>
    %dma_wait3A_226 = tpu.memref_squeeze %dma_wait3A_225 : memref<1x16x2048xf32, #tpu.memory_space<vmem>> -> memref<16x2048xf32, #tpu.memory_space<vmem>>
    %dma_wait3A_227 = arith.constant 0 : i32
    %dma_wait3A_228 = tpu.memref_slice %arg2[%add3A_212, %dma_wait3A_227] : memref<8192x2048xf32, #tpu.memory_space<hbm>> -> memref<16x2048xf32, #tpu.memory_space<hbm>>
    tpu.wait_dma2 semaphore(%dma_wait3A_222 : memref<!tpu.dma_semaphore, #tpu.memory_space<semaphore_mem>>) src(%dma_wait3A_228 : memref<16x2048xf32, #tpu.memory_space<hbm>>) dst(%dma_wait3A_226 : memref<16x2048xf32, #tpu.memory_space<vmem>>)
    %add3A_229 = arith.constant 1024 : i32
    %add3A_230 = arith.addi %mul3A_2, %add3A_229 : i32
    %dma_start3A_231 = arith.constant 2 : i32
    %dma_start3A_232 = arith.constant 0 : i32
    %dma_start3A_233 = arith.constant 2 : i32
    %dma_start3A_234 = arith.constant 0 : i32
    %dma_start3A_235 = arith.constant 0 : i32
    %dma_start3A_236 = tpu.memref_slice %arg4[%dma_start3A_231, %dma_start3A_234, %dma_start3A_235] : memref<3x16x2048xf32, #tpu.memory_space<vmem>> -> memref<1x16x2048xf32, #tpu.memory_space<vmem>>
    %dma_start3A_237 = tpu.memref_squeeze %dma_start3A_236 : memref<1x16x2048xf32, #tpu.memory_space<vmem>> -> memref<16x2048xf32, #tpu.memory_space<vmem>>
    %dma_start3A_238 = arith.constant 0 : i32
    %dma_start3A_239 = tpu.memref_slice %arg3[%dma_start3A_232, %add3A_230, %dma_start3A_238] : memref<1x8192x2048xf32, #tpu.memory_space<hbm>> -> memref<1x16x2048xf32, #tpu.memory_space<hbm>>
    %dma_start3A_240 = tpu.memref_squeeze %dma_start3A_239 : memref<1x16x2048xf32, #tpu.memory_space<hbm>> -> memref<16x2048xf32, #tpu.memory_space<hbm>>
    %dma_start3A_241 = tpu.memref_slice %arg6[%dma_start3A_233] : memref<3x!tpu.dma_semaphore, #tpu.memory_space<semaphore_mem>> -> memref<1x!tpu.dma_semaphore, #tpu.memory_space<semaphore_mem>>
    %dma_start3A_242 = tpu.memref_squeeze %dma_start3A_241 : memref<1x!tpu.dma_semaphore, #tpu.memory_space<semaphore_mem>> -> memref<!tpu.dma_semaphore, #tpu.memory_space<semaphore_mem>>
    %dma_start3A_243 = arith.constant 0 : i32
    %dma_start3A_244 = tpu.memref_slice %arg3[%dma_start3A_232, %add3A_230, %dma_start3A_243] : memref<1x8192x2048xf32, #tpu.memory_space<hbm>> -> memref<1x16x2048xf32, #tpu.memory_space<hbm>>
    %dma_start3A_245 = tpu.memref_squeeze %dma_start3A_244 : memref<1x16x2048xf32, #tpu.memory_space<hbm>> -> memref<16x2048xf32, #tpu.memory_space<hbm>>
    %dma_start3A_246 = arith.constant 0 : i32
    %dma_start3A_247 = arith.constant 0 : i32
    %dma_start3A_248 = tpu.memref_slice %arg4[%dma_start3A_231, %dma_start3A_246, %dma_start3A_247] : memref<3x16x2048xf32, #tpu.memory_space<vmem>> -> memref<1x16x2048xf32, #tpu.memory_space<vmem>>
    %dma_start3A_249 = tpu.memref_squeeze %dma_start3A_248 : memref<1x16x2048xf32, #tpu.memory_space<vmem>> -> memref<16x2048xf32, #tpu.memory_space<vmem>>
    tpu.enqueue_dma source(%dma_start3A_249 : memref<16x2048xf32, #tpu.memory_space<vmem>>) target(%dma_start3A_245 : memref<16x2048xf32, #tpu.memory_space<hbm>>) target_semaphore(%dma_start3A_242 : memref<!tpu.dma_semaphore, #tpu.memory_space<semaphore_mem>>)
    %add3A_250 = arith.constant 1024 : i32
    %add3A_251 = arith.addi %mul3A_2, %add3A_250 : i32
    %dma_wait3A_252 = arith.constant 2 : i32
    %dma_wait3A_253 = arith.constant 0 : i32
    %dma_wait3A_254 = arith.constant 2 : i32
    %dma_wait3A_255 = arith.constant 0 : i32
    %dma_wait3A_256 = arith.constant 0 : i32
    %dma_wait3A_257 = tpu.memref_slice %arg4[%dma_wait3A_252, %dma_wait3A_255, %dma_wait3A_256] : memref<3x16x2048xf32, #tpu.memory_space<vmem>> -> memref<1x16x2048xf32, #tpu.memory_space<vmem>>
    %dma_wait3A_258 = tpu.memref_squeeze %dma_wait3A_257 : memref<1x16x2048xf32, #tpu.memory_space<vmem>> -> memref<16x2048xf32, #tpu.memory_space<vmem>>
    %dma_wait3A_259 = arith.constant 0 : i32
    %dma_wait3A_260 = tpu.memref_slice %arg3[%dma_wait3A_253, %add3A_251, %dma_wait3A_259] : memref<1x8192x2048xf32, #tpu.memory_space<hbm>> -> memref<1x16x2048xf32, #tpu.memory_space<hbm>>
    %dma_wait3A_261 = tpu.memref_squeeze %dma_wait3A_260 : memref<1x16x2048xf32, #tpu.memory_space<hbm>> -> memref<16x2048xf32, #tpu.memory_space<hbm>>
    %dma_wait3A_262 = tpu.memref_slice %arg6[%dma_wait3A_254] : memref<3x!tpu.dma_semaphore, #tpu.memory_space<semaphore_mem>> -> memref<1x!tpu.dma_semaphore, #tpu.memory_space<semaphore_mem>>
    %dma_wait3A_263 = tpu.memref_squeeze %dma_wait3A_262 : memref<1x!tpu.dma_semaphore, #tpu.memory_space<semaphore_mem>> -> memref<!tpu.dma_semaphore, #tpu.memory_space<semaphore_mem>>
    %dma_wait3A_264 = arith.constant 0 : i32
    %dma_wait3A_265 = tpu.memref_slice %arg3[%dma_wait3A_253, %add3A_251, %dma_wait3A_264] : memref<1x8192x2048xf32, #tpu.memory_space<hbm>> -> memref<1x16x2048xf32, #tpu.memory_space<hbm>>
    %dma_wait3A_266 = tpu.memref_squeeze %dma_wait3A_265 : memref<1x16x2048xf32, #tpu.memory_space<hbm>> -> memref<16x2048xf32, #tpu.memory_space<hbm>>
    %dma_wait3A_267 = arith.constant 0 : i32
    %dma_wait3A_268 = arith.constant 0 : i32
    %dma_wait3A_269 = tpu.memref_slice %arg4[%dma_wait3A_252, %dma_wait3A_267, %dma_wait3A_268] : memref<3x16x2048xf32, #tpu.memory_space<vmem>> -> memref<1x16x2048xf32, #tpu.memory_space<vmem>>
    %dma_wait3A_270 = tpu.memref_squeeze %dma_wait3A_269 : memref<1x16x2048xf32, #tpu.memory_space<vmem>> -> memref<16x2048xf32, #tpu.memory_space<vmem>>
    tpu.wait_dma2 semaphore(%dma_wait3A_263 : memref<!tpu.dma_semaphore, #tpu.memory_space<semaphore_mem>>) src(%dma_wait3A_270 : memref<16x2048xf32, #tpu.memory_space<vmem>>) dst(%dma_wait3A_266 : memref<16x2048xf32, #tpu.memory_space<hbm>>)
    %add3A_271 = arith.constant 2560 : i32
    %add3A_272 = arith.addi %mul3A_2, %add3A_271 : i32
    %dma_start3A_273 = arith.constant 2 : i32
    %dma_start3A_274 = arith.constant 2 : i32
    %dma_start3A_275 = arith.constant 0 : i32
    %dma_start3A_276 = arith.constant 0 : i32
    %dma_start3A_277 = tpu.memref_slice %arg4[%dma_start3A_273, %dma_start3A_275, %dma_start3A_276] : memref<3x16x2048xf32, #tpu.memory_space<vmem>> -> memref<1x16x2048xf32, #tpu.memory_space<vmem>>
    %dma_start3A_278 = tpu.memref_squeeze %dma_start3A_277 : memref<1x16x2048xf32, #tpu.memory_space<vmem>> -> memref<16x2048xf32, #tpu.memory_space<vmem>>
    %dma_start3A_279 = arith.constant 0 : i32
    %dma_start3A_280 = tpu.memref_slice %arg2[%add3A_272, %dma_start3A_279] : memref<8192x2048xf32, #tpu.memory_space<hbm>> -> memref<16x2048xf32, #tpu.memory_space<hbm>>
    %dma_start3A_281 = tpu.memref_slice %arg5[%dma_start3A_274] : memref<3x!tpu.dma_semaphore, #tpu.memory_space<semaphore_mem>> -> memref<1x!tpu.dma_semaphore, #tpu.memory_space<semaphore_mem>>
    %dma_start3A_282 = tpu.memref_squeeze %dma_start3A_281 : memref<1x!tpu.dma_semaphore, #tpu.memory_space<semaphore_mem>> -> memref<!tpu.dma_semaphore, #tpu.memory_space<semaphore_mem>>
    %dma_start3A_283 = arith.constant 0 : i32
    %dma_start3A_284 = arith.constant 0 : i32
    %dma_start3A_285 = tpu.memref_slice %arg4[%dma_start3A_273, %dma_start3A_283, %dma_start3A_284] : memref<3x16x2048xf32, #tpu.memory_space<vmem>> -> memref<1x16x2048xf32, #tpu.memory_space<vmem>>
    %dma_start3A_286 = tpu.memref_squeeze %dma_start3A_285 : memref<1x16x2048xf32, #tpu.memory_space<vmem>> -> memref<16x2048xf32, #tpu.memory_space<vmem>>
    %dma_start3A_287 = arith.constant 0 : i32
    %dma_start3A_288 = tpu.memref_slice %arg2[%add3A_272, %dma_start3A_287] : memref<8192x2048xf32, #tpu.memory_space<hbm>> -> memref<16x2048xf32, #tpu.memory_space<hbm>>
    tpu.enqueue_dma source(%dma_start3A_288 : memref<16x2048xf32, #tpu.memory_space<hbm>>) target(%dma_start3A_286 : memref<16x2048xf32, #tpu.memory_space<vmem>>) target_semaphore(%dma_start3A_282 : memref<!tpu.dma_semaphore, #tpu.memory_space<semaphore_mem>>)
    %add3A_289 = arith.constant 1536 : i32
    %add3A_290 = arith.addi %mul3A_2, %add3A_289 : i32
    %dma_wait3A_291 = arith.constant 0 : i32
    %dma_wait3A_292 = arith.constant 0 : i32
    %dma_wait3A_293 = arith.constant 0 : i32
    %dma_wait3A_294 = arith.constant 0 : i32
    %dma_wait3A_295 = tpu.memref_slice %arg4[%dma_wait3A_291, %dma_wait3A_293, %dma_wait3A_294] : memref<3x16x2048xf32, #tpu.memory_space<vmem>> -> memref<1x16x2048xf32, #tpu.memory_space<vmem>>
    %dma_wait3A_296 = tpu.memref_squeeze %dma_wait3A_295 : memref<1x16x2048xf32, #tpu.memory_space<vmem>> -> memref<16x2048xf32, #tpu.memory_space<vmem>>
    %dma_wait3A_297 = arith.constant 0 : i32
    %dma_wait3A_298 = tpu.memref_slice %arg2[%add3A_290, %dma_wait3A_297] : memref<8192x2048xf32, #tpu.memory_space<hbm>> -> memref<16x2048xf32, #tpu.memory_space<hbm>>
    %dma_wait3A_299 = tpu.memref_slice %arg5[%dma_wait3A_292] : memref<3x!tpu.dma_semaphore, #tpu.memory_space<semaphore_mem>> -> memref<1x!tpu.dma_semaphore, #tpu.memory_space<semaphore_mem>>
    %dma_wait3A_300 = tpu.memref_squeeze %dma_wait3A_299 : memref<1x!tpu.dma_semaphore, #tpu.memory_space<semaphore_mem>> -> memref<!tpu.dma_semaphore, #tpu.memory_space<semaphore_mem>>
    %dma_wait3A_301 = arith.constant 0 : i32
    %dma_wait3A_302 = arith.constant 0 : i32
    %dma_wait3A_303 = tpu.memref_slice %arg4[%dma_wait3A_291, %dma_wait3A_301, %dma_wait3A_302] : memref<3x16x2048xf32, #tpu.memory_space<vmem>> -> memref<1x16x2048xf32, #tpu.memory_space<vmem>>
    %dma_wait3A_304 = tpu.memref_squeeze %dma_wait3A_303 : memref<1x16x2048xf32, #tpu.memory_space<vmem>> -> memref<16x2048xf32, #tpu.memory_space<vmem>>
    %dma_wait3A_305 = arith.constant 0 : i32
    %dma_wait3A_306 = tpu.memref_slice %arg2[%add3A_290, %dma_wait3A_305] : memref<8192x2048xf32, #tpu.memory_space<hbm>> -> memref<16x2048xf32, #tpu.memory_space<hbm>>
    tpu.wait_dma2 semaphore(%dma_wait3A_300 : memref<!tpu.dma_semaphore, #tpu.memory_space<semaphore_mem>>) src(%dma_wait3A_306 : memref<16x2048xf32, #tpu.memory_space<hbm>>) dst(%dma_wait3A_304 : memref<16x2048xf32, #tpu.memory_space<vmem>>)
    %add3A_307 = arith.constant 1536 : i32
    %add3A_308 = arith.addi %mul3A_2, %add3A_307 : i32
    %dma_start3A_309 = arith.constant 0 : i32
    %dma_start3A_310 = arith.constant 0 : i32
    %dma_start3A_311 = arith.constant 0 : i32
    %dma_start3A_312 = arith.constant 0 : i32
    %dma_start3A_313 = arith.constant 0 : i32
    %dma_start3A_314 = tpu.memref_slice %arg4[%dma_start3A_309, %dma_start3A_312, %dma_start3A_313] : memref<3x16x2048xf32, #tpu.memory_space<vmem>> -> memref<1x16x2048xf32, #tpu.memory_space<vmem>>
    %dma_start3A_315 = tpu.memref_squeeze %dma_start3A_314 : memref<1x16x2048xf32, #tpu.memory_space<vmem>> -> memref<16x2048xf32, #tpu.memory_space<vmem>>
    %dma_start3A_316 = arith.constant 0 : i32
    %dma_start3A_317 = tpu.memref_slice %arg3[%dma_start3A_310, %add3A_308, %dma_start3A_316] : memref<1x8192x2048xf32, #tpu.memory_space<hbm>> -> memref<1x16x2048xf32, #tpu.memory_space<hbm>>
    %dma_start3A_318 = tpu.memref_squeeze %dma_start3A_317 : memref<1x16x2048xf32, #tpu.memory_space<hbm>> -> memref<16x2048xf32, #tpu.memory_space<hbm>>
    %dma_start3A_319 = tpu.memref_slice %arg6[%dma_start3A_311] : memref<3x!tpu.dma_semaphore, #tpu.memory_space<semaphore_mem>> -> memref<1x!tpu.dma_semaphore, #tpu.memory_space<semaphore_mem>>
    %dma_start3A_320 = tpu.memref_squeeze %dma_start3A_319 : memref<1x!tpu.dma_semaphore, #tpu.memory_space<semaphore_mem>> -> memref<!tpu.dma_semaphore, #tpu.memory_space<semaphore_mem>>
    %dma_start3A_321 = arith.constant 0 : i32
    %dma_start3A_322 = tpu.memref_slice %arg3[%dma_start3A_310, %add3A_308, %dma_start3A_321] : memref<1x8192x2048xf32, #tpu.memory_space<hbm>> -> memref<1x16x2048xf32, #tpu.memory_space<hbm>>
    %dma_start3A_323 = tpu.memref_squeeze %dma_start3A_322 : memref<1x16x2048xf32, #tpu.memory_space<hbm>> -> memref<16x2048xf32, #tpu.memory_space<hbm>>
    %dma_start3A_324 = arith.constant 0 : i32
    %dma_start3A_325 = arith.constant 0 : i32
    %dma_start3A_326 = tpu.memref_slice %arg4[%dma_start3A_309, %dma_start3A_324, %dma_start3A_325] : memref<3x16x2048xf32, #tpu.memory_space<vmem>> -> memref<1x16x2048xf32, #tpu.memory_space<vmem>>
    %dma_start3A_327 = tpu.memref_squeeze %dma_start3A_326 : memref<1x16x2048xf32, #tpu.memory_space<vmem>> -> memref<16x2048xf32, #tpu.memory_space<vmem>>
    tpu.enqueue_dma source(%dma_start3A_327 : memref<16x2048xf32, #tpu.memory_space<vmem>>) target(%dma_start3A_323 : memref<16x2048xf32, #tpu.memory_space<hbm>>) target_semaphore(%dma_start3A_320 : memref<!tpu.dma_semaphore, #tpu.memory_space<semaphore_mem>>)
    %add3A_328 = arith.constant 1536 : i32
    %add3A_329 = arith.addi %mul3A_2, %add3A_328 : i32
    %dma_wait3A_330 = arith.constant 0 : i32
    %dma_wait3A_331 = arith.constant 0 : i32
    %dma_wait3A_332 = arith.constant 0 : i32
    %dma_wait3A_333 = arith.constant 0 : i32
    %dma_wait3A_334 = arith.constant 0 : i32
    %dma_wait3A_335 = tpu.memref_slice %arg4[%dma_wait3A_330, %dma_wait3A_333, %dma_wait3A_334] : memref<3x16x2048xf32, #tpu.memory_space<vmem>> -> memref<1x16x2048xf32, #tpu.memory_space<vmem>>
    %dma_wait3A_336 = tpu.memref_squeeze %dma_wait3A_335 : memref<1x16x2048xf32, #tpu.memory_space<vmem>> -> memref<16x2048xf32, #tpu.memory_space<vmem>>
    %dma_wait3A_337 = arith.constant 0 : i32
    %dma_wait3A_338 = tpu.memref_slice %arg3[%dma_wait3A_331, %add3A_329, %dma_wait3A_337] : memref<1x8192x2048xf32, #tpu.memory_space<hbm>> -> memref<1x16x2048xf32, #tpu.memory_space<hbm>>
    %dma_wait3A_339 = tpu.memref_squeeze %dma_wait3A_338 : memref<1x16x2048xf32, #tpu.memory_space<hbm>> -> memref<16x2048xf32, #tpu.memory_space<hbm>>
    %dma_wait3A_340 = tpu.memref_slice %arg6[%dma_wait3A_332] : memref<3x!tpu.dma_semaphore, #tpu.memory_space<semaphore_mem>> -> memref<1x!tpu.dma_semaphore, #tpu.memory_space<semaphore_mem>>
    %dma_wait3A_341 = tpu.memref_squeeze %dma_wait3A_340 : memref<1x!tpu.dma_semaphore, #tpu.memory_space<semaphore_mem>> -> memref<!tpu.dma_semaphore, #tpu.memory_space<semaphore_mem>>
    %dma_wait3A_342 = arith.constant 0 : i32
    %dma_wait3A_343 = tpu.memref_slice %arg3[%dma_wait3A_331, %add3A_329, %dma_wait3A_342] : memref<1x8192x2048xf32, #tpu.memory_space<hbm>> -> memref<1x16x2048xf32, #tpu.memory_space<hbm>>
    %dma_wait3A_344 = tpu.memref_squeeze %dma_wait3A_343 : memref<1x16x2048xf32, #tpu.memory_space<hbm>> -> memref<16x2048xf32, #tpu.memory_space<hbm>>
    %dma_wait3A_345 = arith.constant 0 : i32
    %dma_wait3A_346 = arith.constant 0 : i32
    %dma_wait3A_347 = tpu.memref_slice %arg4[%dma_wait3A_330, %dma_wait3A_345, %dma_wait3A_346] : memref<3x16x2048xf32, #tpu.memory_space<vmem>> -> memref<1x16x2048xf32, #tpu.memory_space<vmem>>
    %dma_wait3A_348 = tpu.memref_squeeze %dma_wait3A_347 : memref<1x16x2048xf32, #tpu.memory_space<vmem>> -> memref<16x2048xf32, #tpu.memory_space<vmem>>
    tpu.wait_dma2 semaphore(%dma_wait3A_341 : memref<!tpu.dma_semaphore, #tpu.memory_space<semaphore_mem>>) src(%dma_wait3A_348 : memref<16x2048xf32, #tpu.memory_space<vmem>>) dst(%dma_wait3A_344 : memref<16x2048xf32, #tpu.memory_space<hbm>>)
    %add3A_349 = arith.constant 3072 : i32
    %add3A_350 = arith.addi %mul3A_2, %add3A_349 : i32
    %dma_start3A_351 = arith.constant 0 : i32
    %dma_start3A_352 = arith.constant 0 : i32
    %dma_start3A_353 = arith.constant 0 : i32
    %dma_start3A_354 = arith.constant 0 : i32
    %dma_start3A_355 = tpu.memref_slice %arg4[%dma_start3A_351, %dma_start3A_353, %dma_start3A_354] : memref<3x16x2048xf32, #tpu.memory_space<vmem>> -> memref<1x16x2048xf32, #tpu.memory_space<vmem>>
    %dma_start3A_356 = tpu.memref_squeeze %dma_start3A_355 : memref<1x16x2048xf32, #tpu.memory_space<vmem>> -> memref<16x2048xf32, #tpu.memory_space<vmem>>
    %dma_start3A_357 = arith.constant 0 : i32
    %dma_start3A_358 = tpu.memref_slice %arg2[%add3A_350, %dma_start3A_357] : memref<8192x2048xf32, #tpu.memory_space<hbm>> -> memref<16x2048xf32, #tpu.memory_space<hbm>>
    %dma_start3A_359 = tpu.memref_slice %arg5[%dma_start3A_352] : memref<3x!tpu.dma_semaphore, #tpu.memory_space<semaphore_mem>> -> memref<1x!tpu.dma_semaphore, #tpu.memory_space<semaphore_mem>>
    %dma_start3A_360 = tpu.memref_squeeze %dma_start3A_359 : memref<1x!tpu.dma_semaphore, #tpu.memory_space<semaphore_mem>> -> memref<!tpu.dma_semaphore, #tpu.memory_space<semaphore_mem>>
    %dma_start3A_361 = arith.constant 0 : i32
    %dma_start3A_362 = arith.constant 0 : i32
    %dma_start3A_363 = tpu.memref_slice %arg4[%dma_start3A_351, %dma_start3A_361, %dma_start3A_362] : memref<3x16x2048xf32, #tpu.memory_space<vmem>> -> memref<1x16x2048xf32, #tpu.memory_space<vmem>>
    %dma_start3A_364 = tpu.memref_squeeze %dma_start3A_363 : memref<1x16x2048xf32, #tpu.memory_space<vmem>> -> memref<16x2048xf32, #tpu.memory_space<vmem>>
    %dma_start3A_365 = arith.constant 0 : i32
    %dma_start3A_366 = tpu.memref_slice %arg2[%add3A_350, %dma_start3A_365] : memref<8192x2048xf32, #tpu.memory_space<hbm>> -> memref<16x2048xf32, #tpu.memory_space<hbm>>
    tpu.enqueue_dma source(%dma_start3A_366 : memref<16x2048xf32, #tpu.memory_space<hbm>>) target(%dma_start3A_364 : memref<16x2048xf32, #tpu.memory_space<vmem>>) target_semaphore(%dma_start3A_360 : memref<!tpu.dma_semaphore, #tpu.memory_space<semaphore_mem>>)
    %add3A_367 = arith.constant 2048 : i32
    %add3A_368 = arith.addi %mul3A_2, %add3A_367 : i32
    %dma_wait3A_369 = arith.constant 1 : i32
    %dma_wait3A_370 = arith.constant 1 : i32
    %dma_wait3A_371 = arith.constant 0 : i32
    %dma_wait3A_372 = arith.constant 0 : i32
    %dma_wait3A_373 = tpu.memref_slice %arg4[%dma_wait3A_369, %dma_wait3A_371, %dma_wait3A_372] : memref<3x16x2048xf32, #tpu.memory_space<vmem>> -> memref<1x16x2048xf32, #tpu.memory_space<vmem>>
    %dma_wait3A_374 = tpu.memref_squeeze %dma_wait3A_373 : memref<1x16x2048xf32, #tpu.memory_space<vmem>> -> memref<16x2048xf32, #tpu.memory_space<vmem>>
    %dma_wait3A_375 = arith.constant 0 : i32
    %dma_wait3A_376 = tpu.memref_slice %arg2[%add3A_368, %dma_wait3A_375] : memref<8192x2048xf32, #tpu.memory_space<hbm>> -> memref<16x2048xf32, #tpu.memory_space<hbm>>
    %dma_wait3A_377 = tpu.memref_slice %arg5[%dma_wait3A_370] : memref<3x!tpu.dma_semaphore, #tpu.memory_space<semaphore_mem>> -> memref<1x!tpu.dma_semaphore, #tpu.memory_space<semaphore_mem>>
    %dma_wait3A_378 = tpu.memref_squeeze %dma_wait3A_377 : memref<1x!tpu.dma_semaphore, #tpu.memory_space<semaphore_mem>> -> memref<!tpu.dma_semaphore, #tpu.memory_space<semaphore_mem>>
    %dma_wait3A_379 = arith.constant 0 : i32
    %dma_wait3A_380 = arith.constant 0 : i32
    %dma_wait3A_381 = tpu.memref_slice %arg4[%dma_wait3A_369, %dma_wait3A_379, %dma_wait3A_380] : memref<3x16x2048xf32, #tpu.memory_space<vmem>> -> memref<1x16x2048xf32, #tpu.memory_space<vmem>>
    %dma_wait3A_382 = tpu.memref_squeeze %dma_wait3A_381 : memref<1x16x2048xf32, #tpu.memory_space<vmem>> -> memref<16x2048xf32, #tpu.memory_space<vmem>>
    %dma_wait3A_383 = arith.constant 0 : i32
    %dma_wait3A_384 = tpu.memref_slice %arg2[%add3A_368, %dma_wait3A_383] : memref<8192x2048xf32, #tpu.memory_space<hbm>> -> memref<16x2048xf32, #tpu.memory_space<hbm>>
    tpu.wait_dma2 semaphore(%dma_wait3A_378 : memref<!tpu.dma_semaphore, #tpu.memory_space<semaphore_mem>>) src(%dma_wait3A_384 : memref<16x2048xf32, #tpu.memory_space<hbm>>) dst(%dma_wait3A_382 : memref<16x2048xf32, #tpu.memory_space<vmem>>)
    %add3A_385 = arith.constant 2048 : i32
    %add3A_386 = arith.addi %mul3A_2, %add3A_385 : i32
    %dma_start3A_387 = arith.constant 1 : i32
    %dma_start3A_388 = arith.constant 0 : i32
    %dma_start3A_389 = arith.constant 1 : i32
    %dma_start3A_390 = arith.constant 0 : i32
    %dma_start3A_391 = arith.constant 0 : i32
    %dma_start3A_392 = tpu.memref_slice %arg4[%dma_start3A_387, %dma_start3A_390, %dma_start3A_391] : memref<3x16x2048xf32, #tpu.memory_space<vmem>> -> memref<1x16x2048xf32, #tpu.memory_space<vmem>>
    %dma_start3A_393 = tpu.memref_squeeze %dma_start3A_392 : memref<1x16x2048xf32, #tpu.memory_space<vmem>> -> memref<16x2048xf32, #tpu.memory_space<vmem>>
    %dma_start3A_394 = arith.constant 0 : i32
    %dma_start3A_395 = tpu.memref_slice %arg3[%dma_start3A_388, %add3A_386, %dma_start3A_394] : memref<1x8192x2048xf32, #tpu.memory_space<hbm>> -> memref<1x16x2048xf32, #tpu.memory_space<hbm>>
    %dma_start3A_396 = tpu.memref_squeeze %dma_start3A_395 : memref<1x16x2048xf32, #tpu.memory_space<hbm>> -> memref<16x2048xf32, #tpu.memory_space<hbm>>
    %dma_start3A_397 = tpu.memref_slice %arg6[%dma_start3A_389] : memref<3x!tpu.dma_semaphore, #tpu.memory_space<semaphore_mem>> -> memref<1x!tpu.dma_semaphore, #tpu.memory_space<semaphore_mem>>
    %dma_start3A_398 = tpu.memref_squeeze %dma_start3A_397 : memref<1x!tpu.dma_semaphore, #tpu.memory_space<semaphore_mem>> -> memref<!tpu.dma_semaphore, #tpu.memory_space<semaphore_mem>>
    %dma_start3A_399 = arith.constant 0 : i32
    %dma_start3A_400 = tpu.memref_slice %arg3[%dma_start3A_388, %add3A_386, %dma_start3A_399] : memref<1x8192x2048xf32, #tpu.memory_space<hbm>> -> memref<1x16x2048xf32, #tpu.memory_space<hbm>>
    %dma_start3A_401 = tpu.memref_squeeze %dma_start3A_400 : memref<1x16x2048xf32, #tpu.memory_space<hbm>> -> memref<16x2048xf32, #tpu.memory_space<hbm>>
    %dma_start3A_402 = arith.constant 0 : i32
    %dma_start3A_403 = arith.constant 0 : i32
    %dma_start3A_404 = tpu.memref_slice %arg4[%dma_start3A_387, %dma_start3A_402, %dma_start3A_403] : memref<3x16x2048xf32, #tpu.memory_space<vmem>> -> memref<1x16x2048xf32, #tpu.memory_space<vmem>>
    %dma_start3A_405 = tpu.memref_squeeze %dma_start3A_404 : memref<1x16x2048xf32, #tpu.memory_space<vmem>> -> memref<16x2048xf32, #tpu.memory_space<vmem>>
    tpu.enqueue_dma source(%dma_start3A_405 : memref<16x2048xf32, #tpu.memory_space<vmem>>) target(%dma_start3A_401 : memref<16x2048xf32, #tpu.memory_space<hbm>>) target_semaphore(%dma_start3A_398 : memref<!tpu.dma_semaphore, #tpu.memory_space<semaphore_mem>>)
    %add3A_406 = arith.constant 2048 : i32
    %add3A_407 = arith.addi %mul3A_2, %add3A_406 : i32
    %dma_wait3A_408 = arith.constant 1 : i32
    %dma_wait3A_409 = arith.constant 0 : i32
    %dma_wait3A_410 = arith.constant 1 : i32
    %dma_wait3A_411 = arith.constant 0 : i32
    %dma_wait3A_412 = arith.constant 0 : i32
    %dma_wait3A_413 = tpu.memref_slice %arg4[%dma_wait3A_408, %dma_wait3A_411, %dma_wait3A_412] : memref<3x16x2048xf32, #tpu.memory_space<vmem>> -> memref<1x16x2048xf32, #tpu.memory_space<vmem>>
    %dma_wait3A_414 = tpu.memref_squeeze %dma_wait3A_413 : memref<1x16x2048xf32, #tpu.memory_space<vmem>> -> memref<16x2048xf32, #tpu.memory_space<vmem>>
    %dma_wait3A_415 = arith.constant 0 : i32
    %dma_wait3A_416 = tpu.memref_slice %arg3[%dma_wait3A_409, %add3A_407, %dma_wait3A_415] : memref<1x8192x2048xf32, #tpu.memory_space<hbm>> -> memref<1x16x2048xf32, #tpu.memory_space<hbm>>
    %dma_wait3A_417 = tpu.memref_squeeze %dma_wait3A_416 : memref<1x16x2048xf32, #tpu.memory_space<hbm>> -> memref<16x2048xf32, #tpu.memory_space<hbm>>
    %dma_wait3A_418 = tpu.memref_slice %arg6[%dma_wait3A_410] : memref<3x!tpu.dma_semaphore, #tpu.memory_space<semaphore_mem>> -> memref<1x!tpu.dma_semaphore, #tpu.memory_space<semaphore_mem>>
    %dma_wait3A_419 = tpu.memref_squeeze %dma_wait3A_418 : memref<1x!tpu.dma_semaphore, #tpu.memory_space<semaphore_mem>> -> memref<!tpu.dma_semaphore, #tpu.memory_space<semaphore_mem>>
    %dma_wait3A_420 = arith.constant 0 : i32
    %dma_wait3A_421 = tpu.memref_slice %arg3[%dma_wait3A_409, %add3A_407, %dma_wait3A_420] : memref<1x8192x2048xf32, #tpu.memory_space<hbm>> -> memref<1x16x2048xf32, #tpu.memory_space<hbm>>
    %dma_wait3A_422 = tpu.memref_squeeze %dma_wait3A_421 : memref<1x16x2048xf32, #tpu.memory_space<hbm>> -> memref<16x2048xf32, #tpu.memory_space<hbm>>
    %dma_wait3A_423 = arith.constant 0 : i32
    %dma_wait3A_424 = arith.constant 0 : i32
    %dma_wait3A_425 = tpu.memref_slice %arg4[%dma_wait3A_408, %dma_wait3A_423, %dma_wait3A_424] : memref<3x16x2048xf32, #tpu.memory_space<vmem>> -> memref<1x16x2048xf32, #tpu.memory_space<vmem>>
    %dma_wait3A_426 = tpu.memref_squeeze %dma_wait3A_425 : memref<1x16x2048xf32, #tpu.memory_space<vmem>> -> memref<16x2048xf32, #tpu.memory_space<vmem>>
    tpu.wait_dma2 semaphore(%dma_wait3A_419 : memref<!tpu.dma_semaphore, #tpu.memory_space<semaphore_mem>>) src(%dma_wait3A_426 : memref<16x2048xf32, #tpu.memory_space<vmem>>) dst(%dma_wait3A_422 : memref<16x2048xf32, #tpu.memory_space<hbm>>)
    %add3A_427 = arith.constant 3584 : i32
    %add3A_428 = arith.addi %mul3A_2, %add3A_427 : i32
    %dma_start3A_429 = arith.constant 1 : i32
    %dma_start3A_430 = arith.constant 1 : i32
    %dma_start3A_431 = arith.constant 0 : i32
    %dma_start3A_432 = arith.constant 0 : i32
    %dma_start3A_433 = tpu.memref_slice %arg4[%dma_start3A_429, %dma_start3A_431, %dma_start3A_432] : memref<3x16x2048xf32, #tpu.memory_space<vmem>> -> memref<1x16x2048xf32, #tpu.memory_space<vmem>>
    %dma_start3A_434 = tpu.memref_squeeze %dma_start3A_433 : memref<1x16x2048xf32, #tpu.memory_space<vmem>> -> memref<16x2048xf32, #tpu.memory_space<vmem>>
    %dma_start3A_435 = arith.constant 0 : i32
    %dma_start3A_436 = tpu.memref_slice %arg2[%add3A_428, %dma_start3A_435] : memref<8192x2048xf32, #tpu.memory_space<hbm>> -> memref<16x2048xf32, #tpu.memory_space<hbm>>
    %dma_start3A_437 = tpu.memref_slice %arg5[%dma_start3A_430] : memref<3x!tpu.dma_semaphore, #tpu.memory_space<semaphore_mem>> -> memref<1x!tpu.dma_semaphore, #tpu.memory_space<semaphore_mem>>
    %dma_start3A_438 = tpu.memref_squeeze %dma_start3A_437 : memref<1x!tpu.dma_semaphore, #tpu.memory_space<semaphore_mem>> -> memref<!tpu.dma_semaphore, #tpu.memory_space<semaphore_mem>>
    %dma_start3A_439 = arith.constant 0 : i32
    %dma_start3A_440 = arith.constant 0 : i32
    %dma_start3A_441 = tpu.memref_slice %arg4[%dma_start3A_429, %dma_start3A_439, %dma_start3A_440] : memref<3x16x2048xf32, #tpu.memory_space<vmem>> -> memref<1x16x2048xf32, #tpu.memory_space<vmem>>
    %dma_start3A_442 = tpu.memref_squeeze %dma_start3A_441 : memref<1x16x2048xf32, #tpu.memory_space<vmem>> -> memref<16x2048xf32, #tpu.memory_space<vmem>>
    %dma_start3A_443 = arith.constant 0 : i32
    %dma_start3A_444 = tpu.memref_slice %arg2[%add3A_428, %dma_start3A_443] : memref<8192x2048xf32, #tpu.memory_space<hbm>> -> memref<16x2048xf32, #tpu.memory_space<hbm>>
    tpu.enqueue_dma source(%dma_start3A_444 : memref<16x2048xf32, #tpu.memory_space<hbm>>) target(%dma_start3A_442 : memref<16x2048xf32, #tpu.memory_space<vmem>>) target_semaphore(%dma_start3A_438 : memref<!tpu.dma_semaphore, #tpu.memory_space<semaphore_mem>>)
    %add3A_445 = arith.constant 2560 : i32
    %add3A_446 = arith.addi %mul3A_2, %add3A_445 : i32
    %dma_wait3A_447 = arith.constant 2 : i32
    %dma_wait3A_448 = arith.constant 2 : i32
    %dma_wait3A_449 = arith.constant 0 : i32
    %dma_wait3A_450 = arith.constant 0 : i32
    %dma_wait3A_451 = tpu.memref_slice %arg4[%dma_wait3A_447, %dma_wait3A_449, %dma_wait3A_450] : memref<3x16x2048xf32, #tpu.memory_space<vmem>> -> memref<1x16x2048xf32, #tpu.memory_space<vmem>>
    %dma_wait3A_452 = tpu.memref_squeeze %dma_wait3A_451 : memref<1x16x2048xf32, #tpu.memory_space<vmem>> -> memref<16x2048xf32, #tpu.memory_space<vmem>>
    %dma_wait3A_453 = arith.constant 0 : i32
    %dma_wait3A_454 = tpu.memref_slice %arg2[%add3A_446, %dma_wait3A_453] : memref<8192x2048xf32, #tpu.memory_space<hbm>> -> memref<16x2048xf32, #tpu.memory_space<hbm>>
    %dma_wait3A_455 = tpu.memref_slice %arg5[%dma_wait3A_448] : memref<3x!tpu.dma_semaphore, #tpu.memory_space<semaphore_mem>> -> memref<1x!tpu.dma_semaphore, #tpu.memory_space<semaphore_mem>>
    %dma_wait3A_456 = tpu.memref_squeeze %dma_wait3A_455 : memref<1x!tpu.dma_semaphore, #tpu.memory_space<semaphore_mem>> -> memref<!tpu.dma_semaphore, #tpu.memory_space<semaphore_mem>>
    %dma_wait3A_457 = arith.constant 0 : i32
    %dma_wait3A_458 = arith.constant 0 : i32
    %dma_wait3A_459 = tpu.memref_slice %arg4[%dma_wait3A_447, %dma_wait3A_457, %dma_wait3A_458] : memref<3x16x2048xf32, #tpu.memory_space<vmem>> -> memref<1x16x2048xf32, #tpu.memory_space<vmem>>
    %dma_wait3A_460 = tpu.memref_squeeze %dma_wait3A_459 : memref<1x16x2048xf32, #tpu.memory_space<vmem>> -> memref<16x2048xf32, #tpu.memory_space<vmem>>
    %dma_wait3A_461 = arith.constant 0 : i32
    %dma_wait3A_462 = tpu.memref_slice %arg2[%add3A_446, %dma_wait3A_461] : memref<8192x2048xf32, #tpu.memory_space<hbm>> -> memref<16x2048xf32, #tpu.memory_space<hbm>>
    tpu.wait_dma2 semaphore(%dma_wait3A_456 : memref<!tpu.dma_semaphore, #tpu.memory_space<semaphore_mem>>) src(%dma_wait3A_462 : memref<16x2048xf32, #tpu.memory_space<hbm>>) dst(%dma_wait3A_460 : memref<16x2048xf32, #tpu.memory_space<vmem>>)
    %add3A_463 = arith.constant 2560 : i32
    %add3A_464 = arith.addi %mul3A_2, %add3A_463 : i32
    %dma_start3A_465 = arith.constant 2 : i32
    %dma_start3A_466 = arith.constant 0 : i32
    %dma_start3A_467 = arith.constant 2 : i32
    %dma_start3A_468 = arith.constant 0 : i32
    %dma_start3A_469 = arith.constant 0 : i32
    %dma_start3A_470 = tpu.memref_slice %arg4[%dma_start3A_465, %dma_start3A_468, %dma_start3A_469] : memref<3x16x2048xf32, #tpu.memory_space<vmem>> -> memref<1x16x2048xf32, #tpu.memory_space<vmem>>
    %dma_start3A_471 = tpu.memref_squeeze %dma_start3A_470 : memref<1x16x2048xf32, #tpu.memory_space<vmem>> -> memref<16x2048xf32, #tpu.memory_space<vmem>>
    %dma_start3A_472 = arith.constant 0 : i32
    %dma_start3A_473 = tpu.memref_slice %arg3[%dma_start3A_466, %add3A_464, %dma_start3A_472] : memref<1x8192x2048xf32, #tpu.memory_space<hbm>> -> memref<1x16x2048xf32, #tpu.memory_space<hbm>>
    %dma_start3A_474 = tpu.memref_squeeze %dma_start3A_473 : memref<1x16x2048xf32, #tpu.memory_space<hbm>> -> memref<16x2048xf32, #tpu.memory_space<hbm>>
    %dma_start3A_475 = tpu.memref_slice %arg6[%dma_start3A_467] : memref<3x!tpu.dma_semaphore, #tpu.memory_space<semaphore_mem>> -> memref<1x!tpu.dma_semaphore, #tpu.memory_space<semaphore_mem>>
    %dma_start3A_476 = tpu.memref_squeeze %dma_start3A_475 : memref<1x!tpu.dma_semaphore, #tpu.memory_space<semaphore_mem>> -> memref<!tpu.dma_semaphore, #tpu.memory_space<semaphore_mem>>
    %dma_start3A_477 = arith.constant 0 : i32
    %dma_start3A_478 = tpu.memref_slice %arg3[%dma_start3A_466, %add3A_464, %dma_start3A_477] : memref<1x8192x2048xf32, #tpu.memory_space<hbm>> -> memref<1x16x2048xf32, #tpu.memory_space<hbm>>
    %dma_start3A_479 = tpu.memref_squeeze %dma_start3A_478 : memref<1x16x2048xf32, #tpu.memory_space<hbm>> -> memref<16x2048xf32, #tpu.memory_space<hbm>>
    %dma_start3A_480 = arith.constant 0 : i32
    %dma_start3A_481 = arith.constant 0 : i32
    %dma_start3A_482 = tpu.memref_slice %arg4[%dma_start3A_465, %dma_start3A_480, %dma_start3A_481] : memref<3x16x2048xf32, #tpu.memory_space<vmem>> -> memref<1x16x2048xf32, #tpu.memory_space<vmem>>
    %dma_start3A_483 = tpu.memref_squeeze %dma_start3A_482 : memref<1x16x2048xf32, #tpu.memory_space<vmem>> -> memref<16x2048xf32, #tpu.memory_space<vmem>>
    tpu.enqueue_dma source(%dma_start3A_483 : memref<16x2048xf32, #tpu.memory_space<vmem>>) target(%dma_start3A_479 : memref<16x2048xf32, #tpu.memory_space<hbm>>) target_semaphore(%dma_start3A_476 : memref<!tpu.dma_semaphore, #tpu.memory_space<semaphore_mem>>)
    %add3A_484 = arith.constant 2560 : i32
    %add3A_485 = arith.addi %mul3A_2, %add3A_484 : i32
    %dma_wait3A_486 = arith.constant 2 : i32
    %dma_wait3A_487 = arith.constant 0 : i32
    %dma_wait3A_488 = arith.constant 2 : i32
    %dma_wait3A_489 = arith.constant 0 : i32
    %dma_wait3A_490 = arith.constant 0 : i32
    %dma_wait3A_491 = tpu.memref_slice %arg4[%dma_wait3A_486, %dma_wait3A_489, %dma_wait3A_490] : memref<3x16x2048xf32, #tpu.memory_space<vmem>> -> memref<1x16x2048xf32, #tpu.memory_space<vmem>>
    %dma_wait3A_492 = tpu.memref_squeeze %dma_wait3A_491 : memref<1x16x2048xf32, #tpu.memory_space<vmem>> -> memref<16x2048xf32, #tpu.memory_space<vmem>>
    %dma_wait3A_493 = arith.constant 0 : i32
    %dma_wait3A_494 = tpu.memref_slice %arg3[%dma_wait3A_487, %add3A_485, %dma_wait3A_493] : memref<1x8192x2048xf32, #tpu.memory_space<hbm>> -> memref<1x16x2048xf32, #tpu.memory_space<hbm>>
    %dma_wait3A_495 = tpu.memref_squeeze %dma_wait3A_494 : memref<1x16x2048xf32, #tpu.memory_space<hbm>> -> memref<16x2048xf32, #tpu.memory_space<hbm>>
    %dma_wait3A_496 = tpu.memref_slice %arg6[%dma_wait3A_488] : memref<3x!tpu.dma_semaphore, #tpu.memory_space<semaphore_mem>> -> memref<1x!tpu.dma_semaphore, #tpu.memory_space<semaphore_mem>>
    %dma_wait3A_497 = tpu.memref_squeeze %dma_wait3A_496 : memref<1x!tpu.dma_semaphore, #tpu.memory_space<semaphore_mem>> -> memref<!tpu.dma_semaphore, #tpu.memory_space<semaphore_mem>>
    %dma_wait3A_498 = arith.constant 0 : i32
    %dma_wait3A_499 = tpu.memref_slice %arg3[%dma_wait3A_487, %add3A_485, %dma_wait3A_498] : memref<1x8192x2048xf32, #tpu.memory_space<hbm>> -> memref<1x16x2048xf32, #tpu.memory_space<hbm>>
    %dma_wait3A_500 = tpu.memref_squeeze %dma_wait3A_499 : memref<1x16x2048xf32, #tpu.memory_space<hbm>> -> memref<16x2048xf32, #tpu.memory_space<hbm>>
    %dma_wait3A_501 = arith.constant 0 : i32
    %dma_wait3A_502 = arith.constant 0 : i32
    %dma_wait3A_503 = tpu.memref_slice %arg4[%dma_wait3A_486, %dma_wait3A_501, %dma_wait3A_502] : memref<3x16x2048xf32, #tpu.memory_space<vmem>> -> memref<1x16x2048xf32, #tpu.memory_space<vmem>>
    %dma_wait3A_504 = tpu.memref_squeeze %dma_wait3A_503 : memref<1x16x2048xf32, #tpu.memory_space<vmem>> -> memref<16x2048xf32, #tpu.memory_space<vmem>>
    tpu.wait_dma2 semaphore(%dma_wait3A_497 : memref<!tpu.dma_semaphore, #tpu.memory_space<semaphore_mem>>) src(%dma_wait3A_504 : memref<16x2048xf32, #tpu.memory_space<vmem>>) dst(%dma_wait3A_500 : memref<16x2048xf32, #tpu.memory_space<hbm>>)
    %add3A_505 = arith.constant 4096 : i32
    %add3A_506 = arith.addi %mul3A_2, %add3A_505 : i32
    %dma_start3A_507 = arith.constant 2 : i32
    %dma_start3A_508 = arith.constant 2 : i32
    %dma_start3A_509 = arith.constant 0 : i32
    %dma_start3A_510 = arith.constant 0 : i32
    %dma_start3A_511 = tpu.memref_slice %arg4[%dma_start3A_507, %dma_start3A_509, %dma_start3A_510] : memref<3x16x2048xf32, #tpu.memory_space<vmem>> -> memref<1x16x2048xf32, #tpu.memory_space<vmem>>
    %dma_start3A_512 = tpu.memref_squeeze %dma_start3A_511 : memref<1x16x2048xf32, #tpu.memory_space<vmem>> -> memref<16x2048xf32, #tpu.memory_space<vmem>>
    %dma_start3A_513 = arith.constant 0 : i32
    %dma_start3A_514 = tpu.memref_slice %arg2[%add3A_506, %dma_start3A_513] : memref<8192x2048xf32, #tpu.memory_space<hbm>> -> memref<16x2048xf32, #tpu.memory_space<hbm>>
    %dma_start3A_515 = tpu.memref_slice %arg5[%dma_start3A_508] : memref<3x!tpu.dma_semaphore, #tpu.memory_space<semaphore_mem>> -> memref<1x!tpu.dma_semaphore, #tpu.memory_space<semaphore_mem>>
    %dma_start3A_516 = tpu.memref_squeeze %dma_start3A_515 : memref<1x!tpu.dma_semaphore, #tpu.memory_space<semaphore_mem>> -> memref<!tpu.dma_semaphore, #tpu.memory_space<semaphore_mem>>
    %dma_start3A_517 = arith.constant 0 : i32
    %dma_start3A_518 = arith.constant 0 : i32
    %dma_start3A_519 = tpu.memref_slice %arg4[%dma_start3A_507, %dma_start3A_517, %dma_start3A_518] : memref<3x16x2048xf32, #tpu.memory_space<vmem>> -> memref<1x16x2048xf32, #tpu.memory_space<vmem>>
    %dma_start3A_520 = tpu.memref_squeeze %dma_start3A_519 : memref<1x16x2048xf32, #tpu.memory_space<vmem>> -> memref<16x2048xf32, #tpu.memory_space<vmem>>
    %dma_start3A_521 = arith.constant 0 : i32
    %dma_start3A_522 = tpu.memref_slice %arg2[%add3A_506, %dma_start3A_521] : memref<8192x2048xf32, #tpu.memory_space<hbm>> -> memref<16x2048xf32, #tpu.memory_space<hbm>>
    tpu.enqueue_dma source(%dma_start3A_522 : memref<16x2048xf32, #tpu.memory_space<hbm>>) target(%dma_start3A_520 : memref<16x2048xf32, #tpu.memory_space<vmem>>) target_semaphore(%dma_start3A_516 : memref<!tpu.dma_semaphore, #tpu.memory_space<semaphore_mem>>)
    %add3A_523 = arith.constant 3072 : i32
    %add3A_524 = arith.addi %mul3A_2, %add3A_523 : i32
    %dma_wait3A_525 = arith.constant 0 : i32
    %dma_wait3A_526 = arith.constant 0 : i32
    %dma_wait3A_527 = arith.constant 0 : i32
    %dma_wait3A_528 = arith.constant 0 : i32
    %dma_wait3A_529 = tpu.memref_slice %arg4[%dma_wait3A_525, %dma_wait3A_527, %dma_wait3A_528] : memref<3x16x2048xf32, #tpu.memory_space<vmem>> -> memref<1x16x2048xf32, #tpu.memory_space<vmem>>
    %dma_wait3A_530 = tpu.memref_squeeze %dma_wait3A_529 : memref<1x16x2048xf32, #tpu.memory_space<vmem>> -> memref<16x2048xf32, #tpu.memory_space<vmem>>
    %dma_wait3A_531 = arith.constant 0 : i32
    %dma_wait3A_532 = tpu.memref_slice %arg2[%add3A_524, %dma_wait3A_531] : memref<8192x2048xf32, #tpu.memory_space<hbm>> -> memref<16x2048xf32, #tpu.memory_space<hbm>>
    %dma_wait3A_533 = tpu.memref_slice %arg5[%dma_wait3A_526] : memref<3x!tpu.dma_semaphore, #tpu.memory_space<semaphore_mem>> -> memref<1x!tpu.dma_semaphore, #tpu.memory_space<semaphore_mem>>
    %dma_wait3A_534 = tpu.memref_squeeze %dma_wait3A_533 : memref<1x!tpu.dma_semaphore, #tpu.memory_space<semaphore_mem>> -> memref<!tpu.dma_semaphore, #tpu.memory_space<semaphore_mem>>
    %dma_wait3A_535 = arith.constant 0 : i32
    %dma_wait3A_536 = arith.constant 0 : i32
    %dma_wait3A_537 = tpu.memref_slice %arg4[%dma_wait3A_525, %dma_wait3A_535, %dma_wait3A_536] : memref<3x16x2048xf32, #tpu.memory_space<vmem>> -> memref<1x16x2048xf32, #tpu.memory_space<vmem>>
    %dma_wait3A_538 = tpu.memref_squeeze %dma_wait3A_537 : memref<1x16x2048xf32, #tpu.memory_space<vmem>> -> memref<16x2048xf32, #tpu.memory_space<vmem>>
    %dma_wait3A_539 = arith.constant 0 : i32
    %dma_wait3A_540 = tpu.memref_slice %arg2[%add3A_524, %dma_wait3A_539] : memref<8192x2048xf32, #tpu.memory_space<hbm>> -> memref<16x2048xf32, #tpu.memory_space<hbm>>
    tpu.wait_dma2 semaphore(%dma_wait3A_534 : memref<!tpu.dma_semaphore, #tpu.memory_space<semaphore_mem>>) src(%dma_wait3A_540 : memref<16x2048xf32, #tpu.memory_space<hbm>>) dst(%dma_wait3A_538 : memref<16x2048xf32, #tpu.memory_space<vmem>>)
    %add3A_541 = arith.constant 3072 : i32
    %add3A_542 = arith.addi %mul3A_2, %add3A_541 : i32
    %dma_start3A_543 = arith.constant 0 : i32
    %dma_start3A_544 = arith.constant 0 : i32
    %dma_start3A_545 = arith.constant 0 : i32
    %dma_start3A_546 = arith.constant 0 : i32
    %dma_start3A_547 = arith.constant 0 : i32
    %dma_start3A_548 = tpu.memref_slice %arg4[%dma_start3A_543, %dma_start3A_546, %dma_start3A_547] : memref<3x16x2048xf32, #tpu.memory_space<vmem>> -> memref<1x16x2048xf32, #tpu.memory_space<vmem>>
    %dma_start3A_549 = tpu.memref_squeeze %dma_start3A_548 : memref<1x16x2048xf32, #tpu.memory_space<vmem>> -> memref<16x2048xf32, #tpu.memory_space<vmem>>
    %dma_start3A_550 = arith.constant 0 : i32
    %dma_start3A_551 = tpu.memref_slice %arg3[%dma_start3A_544, %add3A_542, %dma_start3A_550] : memref<1x8192x2048xf32, #tpu.memory_space<hbm>> -> memref<1x16x2048xf32, #tpu.memory_space<hbm>>
    %dma_start3A_552 = tpu.memref_squeeze %dma_start3A_551 : memref<1x16x2048xf32, #tpu.memory_space<hbm>> -> memref<16x2048xf32, #tpu.memory_space<hbm>>
    %dma_start3A_553 = tpu.memref_slice %arg6[%dma_start3A_545] : memref<3x!tpu.dma_semaphore, #tpu.memory_space<semaphore_mem>> -> memref<1x!tpu.dma_semaphore, #tpu.memory_space<semaphore_mem>>
    %dma_start3A_554 = tpu.memref_squeeze %dma_start3A_553 : memref<1x!tpu.dma_semaphore, #tpu.memory_space<semaphore_mem>> -> memref<!tpu.dma_semaphore, #tpu.memory_space<semaphore_mem>>
    %dma_start3A_555 = arith.constant 0 : i32
    %dma_start3A_556 = tpu.memref_slice %arg3[%dma_start3A_544, %add3A_542, %dma_start3A_555] : memref<1x8192x2048xf32, #tpu.memory_space<hbm>> -> memref<1x16x2048xf32, #tpu.memory_space<hbm>>
    %dma_start3A_557 = tpu.memref_squeeze %dma_start3A_556 : memref<1x16x2048xf32, #tpu.memory_space<hbm>> -> memref<16x2048xf32, #tpu.memory_space<hbm>>
    %dma_start3A_558 = arith.constant 0 : i32
    %dma_start3A_559 = arith.constant 0 : i32
    %dma_start3A_560 = tpu.memref_slice %arg4[%dma_start3A_543, %dma_start3A_558, %dma_start3A_559] : memref<3x16x2048xf32, #tpu.memory_space<vmem>> -> memref<1x16x2048xf32, #tpu.memory_space<vmem>>
    %dma_start3A_561 = tpu.memref_squeeze %dma_start3A_560 : memref<1x16x2048xf32, #tpu.memory_space<vmem>> -> memref<16x2048xf32, #tpu.memory_space<vmem>>
    tpu.enqueue_dma source(%dma_start3A_561 : memref<16x2048xf32, #tpu.memory_space<vmem>>) target(%dma_start3A_557 : memref<16x2048xf32, #tpu.memory_space<hbm>>) target_semaphore(%dma_start3A_554 : memref<!tpu.dma_semaphore, #tpu.memory_space<semaphore_mem>>)
    %add3A_562 = arith.constant 3072 : i32
    %add3A_563 = arith.addi %mul3A_2, %add3A_562 : i32
    %dma_wait3A_564 = arith.constant 0 : i32
    %dma_wait3A_565 = arith.constant 0 : i32
    %dma_wait3A_566 = arith.constant 0 : i32
    %dma_wait3A_567 = arith.constant 0 : i32
    %dma_wait3A_568 = arith.constant 0 : i32
    %dma_wait3A_569 = tpu.memref_slice %arg4[%dma_wait3A_564, %dma_wait3A_567, %dma_wait3A_568] : memref<3x16x2048xf32, #tpu.memory_space<vmem>> -> memref<1x16x2048xf32, #tpu.memory_space<vmem>>
    %dma_wait3A_570 = tpu.memref_squeeze %dma_wait3A_569 : memref<1x16x2048xf32, #tpu.memory_space<vmem>> -> memref<16x2048xf32, #tpu.memory_space<vmem>>
    %dma_wait3A_571 = arith.constant 0 : i32
    %dma_wait3A_572 = tpu.memref_slice %arg3[%dma_wait3A_565, %add3A_563, %dma_wait3A_571] : memref<1x8192x2048xf32, #tpu.memory_space<hbm>> -> memref<1x16x2048xf32, #tpu.memory_space<hbm>>
    %dma_wait3A_573 = tpu.memref_squeeze %dma_wait3A_572 : memref<1x16x2048xf32, #tpu.memory_space<hbm>> -> memref<16x2048xf32, #tpu.memory_space<hbm>>
    %dma_wait3A_574 = tpu.memref_slice %arg6[%dma_wait3A_566] : memref<3x!tpu.dma_semaphore, #tpu.memory_space<semaphore_mem>> -> memref<1x!tpu.dma_semaphore, #tpu.memory_space<semaphore_mem>>
    %dma_wait3A_575 = tpu.memref_squeeze %dma_wait3A_574 : memref<1x!tpu.dma_semaphore, #tpu.memory_space<semaphore_mem>> -> memref<!tpu.dma_semaphore, #tpu.memory_space<semaphore_mem>>
    %dma_wait3A_576 = arith.constant 0 : i32
    %dma_wait3A_577 = tpu.memref_slice %arg3[%dma_wait3A_565, %add3A_563, %dma_wait3A_576] : memref<1x8192x2048xf32, #tpu.memory_space<hbm>> -> memref<1x16x2048xf32, #tpu.memory_space<hbm>>
    %dma_wait3A_578 = tpu.memref_squeeze %dma_wait3A_577 : memref<1x16x2048xf32, #tpu.memory_space<hbm>> -> memref<16x2048xf32, #tpu.memory_space<hbm>>
    %dma_wait3A_579 = arith.constant 0 : i32
    %dma_wait3A_580 = arith.constant 0 : i32
    %dma_wait3A_581 = tpu.memref_slice %arg4[%dma_wait3A_564, %dma_wait3A_579, %dma_wait3A_580] : memref<3x16x2048xf32, #tpu.memory_space<vmem>> -> memref<1x16x2048xf32, #tpu.memory_space<vmem>>
    %dma_wait3A_582 = tpu.memref_squeeze %dma_wait3A_581 : memref<1x16x2048xf32, #tpu.memory_space<vmem>> -> memref<16x2048xf32, #tpu.memory_space<vmem>>
    tpu.wait_dma2 semaphore(%dma_wait3A_575 : memref<!tpu.dma_semaphore, #tpu.memory_space<semaphore_mem>>) src(%dma_wait3A_582 : memref<16x2048xf32, #tpu.memory_space<vmem>>) dst(%dma_wait3A_578 : memref<16x2048xf32, #tpu.memory_space<hbm>>)
    %add3A_583 = arith.constant 4608 : i32
    %add3A_584 = arith.addi %mul3A_2, %add3A_583 : i32
    %dma_start3A_585 = arith.constant 0 : i32
    %dma_start3A_586 = arith.constant 0 : i32
    %dma_start3A_587 = arith.constant 0 : i32
    %dma_start3A_588 = arith.constant 0 : i32
    %dma_start3A_589 = tpu.memref_slice %arg4[%dma_start3A_585, %dma_start3A_587, %dma_start3A_588] : memref<3x16x2048xf32, #tpu.memory_space<vmem>> -> memref<1x16x2048xf32, #tpu.memory_space<vmem>>
    %dma_start3A_590 = tpu.memref_squeeze %dma_start3A_589 : memref<1x16x2048xf32, #tpu.memory_space<vmem>> -> memref<16x2048xf32, #tpu.memory_space<vmem>>
    %dma_start3A_591 = arith.constant 0 : i32
    %dma_start3A_592 = tpu.memref_slice %arg2[%add3A_584, %dma_start3A_591] : memref<8192x2048xf32, #tpu.memory_space<hbm>> -> memref<16x2048xf32, #tpu.memory_space<hbm>>
    %dma_start3A_593 = tpu.memref_slice %arg5[%dma_start3A_586] : memref<3x!tpu.dma_semaphore, #tpu.memory_space<semaphore_mem>> -> memref<1x!tpu.dma_semaphore, #tpu.memory_space<semaphore_mem>>
    %dma_start3A_594 = tpu.memref_squeeze %dma_start3A_593 : memref<1x!tpu.dma_semaphore, #tpu.memory_space<semaphore_mem>> -> memref<!tpu.dma_semaphore, #tpu.memory_space<semaphore_mem>>
    %dma_start3A_595 = arith.constant 0 : i32
    %dma_start3A_596 = arith.constant 0 : i32
    %dma_start3A_597 = tpu.memref_slice %arg4[%dma_start3A_585, %dma_start3A_595, %dma_start3A_596] : memref<3x16x2048xf32, #tpu.memory_space<vmem>> -> memref<1x16x2048xf32, #tpu.memory_space<vmem>>
    %dma_start3A_598 = tpu.memref_squeeze %dma_start3A_597 : memref<1x16x2048xf32, #tpu.memory_space<vmem>> -> memref<16x2048xf32, #tpu.memory_space<vmem>>
    %dma_start3A_599 = arith.constant 0 : i32
    %dma_start3A_600 = tpu.memref_slice %arg2[%add3A_584, %dma_start3A_599] : memref<8192x2048xf32, #tpu.memory_space<hbm>> -> memref<16x2048xf32, #tpu.memory_space<hbm>>
    tpu.enqueue_dma source(%dma_start3A_600 : memref<16x2048xf32, #tpu.memory_space<hbm>>) target(%dma_start3A_598 : memref<16x2048xf32, #tpu.memory_space<vmem>>) target_semaphore(%dma_start3A_594 : memref<!tpu.dma_semaphore, #tpu.memory_space<semaphore_mem>>)
    %add3A_601 = arith.constant 3584 : i32
    %add3A_602 = arith.addi %mul3A_2, %add3A_601 : i32
    %dma_wait3A_603 = arith.constant 1 : i32
    %dma_wait3A_604 = arith.constant 1 : i32
    %dma_wait3A_605 = arith.constant 0 : i32
    %dma_wait3A_606 = arith.constant 0 : i32
    %dma_wait3A_607 = tpu.memref_slice %arg4[%dma_wait3A_603, %dma_wait3A_605, %dma_wait3A_606] : memref<3x16x2048xf32, #tpu.memory_space<vmem>> -> memref<1x16x2048xf32, #tpu.memory_space<vmem>>
    %dma_wait3A_608 = tpu.memref_squeeze %dma_wait3A_607 : memref<1x16x2048xf32, #tpu.memory_space<vmem>> -> memref<16x2048xf32, #tpu.memory_space<vmem>>
    %dma_wait3A_609 = arith.constant 0 : i32
    %dma_wait3A_610 = tpu.memref_slice %arg2[%add3A_602, %dma_wait3A_609] : memref<8192x2048xf32, #tpu.memory_space<hbm>> -> memref<16x2048xf32, #tpu.memory_space<hbm>>
    %dma_wait3A_611 = tpu.memref_slice %arg5[%dma_wait3A_604] : memref<3x!tpu.dma_semaphore, #tpu.memory_space<semaphore_mem>> -> memref<1x!tpu.dma_semaphore, #tpu.memory_space<semaphore_mem>>
    %dma_wait3A_612 = tpu.memref_squeeze %dma_wait3A_611 : memref<1x!tpu.dma_semaphore, #tpu.memory_space<semaphore_mem>> -> memref<!tpu.dma_semaphore, #tpu.memory_space<semaphore_mem>>
    %dma_wait3A_613 = arith.constant 0 : i32
    %dma_wait3A_614 = arith.constant 0 : i32
    %dma_wait3A_615 = tpu.memref_slice %arg4[%dma_wait3A_603, %dma_wait3A_613, %dma_wait3A_614] : memref<3x16x2048xf32, #tpu.memory_space<vmem>> -> memref<1x16x2048xf32, #tpu.memory_space<vmem>>
    %dma_wait3A_616 = tpu.memref_squeeze %dma_wait3A_615 : memref<1x16x2048xf32, #tpu.memory_space<vmem>> -> memref<16x2048xf32, #tpu.memory_space<vmem>>
    %dma_wait3A_617 = arith.constant 0 : i32
    %dma_wait3A_618 = tpu.memref_slice %arg2[%add3A_602, %dma_wait3A_617] : memref<8192x2048xf32, #tpu.memory_space<hbm>> -> memref<16x2048xf32, #tpu.memory_space<hbm>>
    tpu.wait_dma2 semaphore(%dma_wait3A_612 : memref<!tpu.dma_semaphore, #tpu.memory_space<semaphore_mem>>) src(%dma_wait3A_618 : memref<16x2048xf32, #tpu.memory_space<hbm>>) dst(%dma_wait3A_616 : memref<16x2048xf32, #tpu.memory_space<vmem>>)
    %add3A_619 = arith.constant 3584 : i32
    %add3A_620 = arith.addi %mul3A_2, %add3A_619 : i32
    %dma_start3A_621 = arith.constant 1 : i32
    %dma_start3A_622 = arith.constant 0 : i32
    %dma_start3A_623 = arith.constant 1 : i32
    %dma_start3A_624 = arith.constant 0 : i32
    %dma_start3A_625 = arith.constant 0 : i32
    %dma_start3A_626 = tpu.memref_slice %arg4[%dma_start3A_621, %dma_start3A_624, %dma_start3A_625] : memref<3x16x2048xf32, #tpu.memory_space<vmem>> -> memref<1x16x2048xf32, #tpu.memory_space<vmem>>
    %dma_start3A_627 = tpu.memref_squeeze %dma_start3A_626 : memref<1x16x2048xf32, #tpu.memory_space<vmem>> -> memref<16x2048xf32, #tpu.memory_space<vmem>>
    %dma_start3A_628 = arith.constant 0 : i32
    %dma_start3A_629 = tpu.memref_slice %arg3[%dma_start3A_622, %add3A_620, %dma_start3A_628] : memref<1x8192x2048xf32, #tpu.memory_space<hbm>> -> memref<1x16x2048xf32, #tpu.memory_space<hbm>>
    %dma_start3A_630 = tpu.memref_squeeze %dma_start3A_629 : memref<1x16x2048xf32, #tpu.memory_space<hbm>> -> memref<16x2048xf32, #tpu.memory_space<hbm>>
    %dma_start3A_631 = tpu.memref_slice %arg6[%dma_start3A_623] : memref<3x!tpu.dma_semaphore, #tpu.memory_space<semaphore_mem>> -> memref<1x!tpu.dma_semaphore, #tpu.memory_space<semaphore_mem>>
    %dma_start3A_632 = tpu.memref_squeeze %dma_start3A_631 : memref<1x!tpu.dma_semaphore, #tpu.memory_space<semaphore_mem>> -> memref<!tpu.dma_semaphore, #tpu.memory_space<semaphore_mem>>
    %dma_start3A_633 = arith.constant 0 : i32
    %dma_start3A_634 = tpu.memref_slice %arg3[%dma_start3A_622, %add3A_620, %dma_start3A_633] : memref<1x8192x2048xf32, #tpu.memory_space<hbm>> -> memref<1x16x2048xf32, #tpu.memory_space<hbm>>
    %dma_start3A_635 = tpu.memref_squeeze %dma_start3A_634 : memref<1x16x2048xf32, #tpu.memory_space<hbm>> -> memref<16x2048xf32, #tpu.memory_space<hbm>>
    %dma_start3A_636 = arith.constant 0 : i32
    %dma_start3A_637 = arith.constant 0 : i32
    %dma_start3A_638 = tpu.memref_slice %arg4[%dma_start3A_621, %dma_start3A_636, %dma_start3A_637] : memref<3x16x2048xf32, #tpu.memory_space<vmem>> -> memref<1x16x2048xf32, #tpu.memory_space<vmem>>
    %dma_start3A_639 = tpu.memref_squeeze %dma_start3A_638 : memref<1x16x2048xf32, #tpu.memory_space<vmem>> -> memref<16x2048xf32, #tpu.memory_space<vmem>>
    tpu.enqueue_dma source(%dma_start3A_639 : memref<16x2048xf32, #tpu.memory_space<vmem>>) target(%dma_start3A_635 : memref<16x2048xf32, #tpu.memory_space<hbm>>) target_semaphore(%dma_start3A_632 : memref<!tpu.dma_semaphore, #tpu.memory_space<semaphore_mem>>)
    %add3A_640 = arith.constant 3584 : i32
    %add3A_641 = arith.addi %mul3A_2, %add3A_640 : i32
    %dma_wait3A_642 = arith.constant 1 : i32
    %dma_wait3A_643 = arith.constant 0 : i32
    %dma_wait3A_644 = arith.constant 1 : i32
    %dma_wait3A_645 = arith.constant 0 : i32
    %dma_wait3A_646 = arith.constant 0 : i32
    %dma_wait3A_647 = tpu.memref_slice %arg4[%dma_wait3A_642, %dma_wait3A_645, %dma_wait3A_646] : memref<3x16x2048xf32, #tpu.memory_space<vmem>> -> memref<1x16x2048xf32, #tpu.memory_space<vmem>>
    %dma_wait3A_648 = tpu.memref_squeeze %dma_wait3A_647 : memref<1x16x2048xf32, #tpu.memory_space<vmem>> -> memref<16x2048xf32, #tpu.memory_space<vmem>>
    %dma_wait3A_649 = arith.constant 0 : i32
    %dma_wait3A_650 = tpu.memref_slice %arg3[%dma_wait3A_643, %add3A_641, %dma_wait3A_649] : memref<1x8192x2048xf32, #tpu.memory_space<hbm>> -> memref<1x16x2048xf32, #tpu.memory_space<hbm>>
    %dma_wait3A_651 = tpu.memref_squeeze %dma_wait3A_650 : memref<1x16x2048xf32, #tpu.memory_space<hbm>> -> memref<16x2048xf32, #tpu.memory_space<hbm>>
    %dma_wait3A_652 = tpu.memref_slice %arg6[%dma_wait3A_644] : memref<3x!tpu.dma_semaphore, #tpu.memory_space<semaphore_mem>> -> memref<1x!tpu.dma_semaphore, #tpu.memory_space<semaphore_mem>>
    %dma_wait3A_653 = tpu.memref_squeeze %dma_wait3A_652 : memref<1x!tpu.dma_semaphore, #tpu.memory_space<semaphore_mem>> -> memref<!tpu.dma_semaphore, #tpu.memory_space<semaphore_mem>>
    %dma_wait3A_654 = arith.constant 0 : i32
    %dma_wait3A_655 = tpu.memref_slice %arg3[%dma_wait3A_643, %add3A_641, %dma_wait3A_654] : memref<1x8192x2048xf32, #tpu.memory_space<hbm>> -> memref<1x16x2048xf32, #tpu.memory_space<hbm>>
    %dma_wait3A_656 = tpu.memref_squeeze %dma_wait3A_655 : memref<1x16x2048xf32, #tpu.memory_space<hbm>> -> memref<16x2048xf32, #tpu.memory_space<hbm>>
    %dma_wait3A_657 = arith.constant 0 : i32
    %dma_wait3A_658 = arith.constant 0 : i32
    %dma_wait3A_659 = tpu.memref_slice %arg4[%dma_wait3A_642, %dma_wait3A_657, %dma_wait3A_658] : memref<3x16x2048xf32, #tpu.memory_space<vmem>> -> memref<1x16x2048xf32, #tpu.memory_space<vmem>>
    %dma_wait3A_660 = tpu.memref_squeeze %dma_wait3A_659 : memref<1x16x2048xf32, #tpu.memory_space<vmem>> -> memref<16x2048xf32, #tpu.memory_space<vmem>>
    tpu.wait_dma2 semaphore(%dma_wait3A_653 : memref<!tpu.dma_semaphore, #tpu.memory_space<semaphore_mem>>) src(%dma_wait3A_660 : memref<16x2048xf32, #tpu.memory_space<vmem>>) dst(%dma_wait3A_656 : memref<16x2048xf32, #tpu.memory_space<hbm>>)
    %add3A_661 = arith.constant 5120 : i32
    %add3A_662 = arith.addi %mul3A_2, %add3A_661 : i32
    %dma_start3A_663 = arith.constant 1 : i32
    %dma_start3A_664 = arith.constant 1 : i32
    %dma_start3A_665 = arith.constant 0 : i32
    %dma_start3A_666 = arith.constant 0 : i32
    %dma_start3A_667 = tpu.memref_slice %arg4[%dma_start3A_663, %dma_start3A_665, %dma_start3A_666] : memref<3x16x2048xf32, #tpu.memory_space<vmem>> -> memref<1x16x2048xf32, #tpu.memory_space<vmem>>
    %dma_start3A_668 = tpu.memref_squeeze %dma_start3A_667 : memref<1x16x2048xf32, #tpu.memory_space<vmem>> -> memref<16x2048xf32, #tpu.memory_space<vmem>>
    %dma_start3A_669 = arith.constant 0 : i32
    %dma_start3A_670 = tpu.memref_slice %arg2[%add3A_662, %dma_start3A_669] : memref<8192x2048xf32, #tpu.memory_space<hbm>> -> memref<16x2048xf32, #tpu.memory_space<hbm>>
    %dma_start3A_671 = tpu.memref_slice %arg5[%dma_start3A_664] : memref<3x!tpu.dma_semaphore, #tpu.memory_space<semaphore_mem>> -> memref<1x!tpu.dma_semaphore, #tpu.memory_space<semaphore_mem>>
    %dma_start3A_672 = tpu.memref_squeeze %dma_start3A_671 : memref<1x!tpu.dma_semaphore, #tpu.memory_space<semaphore_mem>> -> memref<!tpu.dma_semaphore, #tpu.memory_space<semaphore_mem>>
    %dma_start3A_673 = arith.constant 0 : i32
    %dma_start3A_674 = arith.constant 0 : i32
    %dma_start3A_675 = tpu.memref_slice %arg4[%dma_start3A_663, %dma_start3A_673, %dma_start3A_674] : memref<3x16x2048xf32, #tpu.memory_space<vmem>> -> memref<1x16x2048xf32, #tpu.memory_space<vmem>>
    %dma_start3A_676 = tpu.memref_squeeze %dma_start3A_675 : memref<1x16x2048xf32, #tpu.memory_space<vmem>> -> memref<16x2048xf32, #tpu.memory_space<vmem>>
    %dma_start3A_677 = arith.constant 0 : i32
    %dma_start3A_678 = tpu.memref_slice %arg2[%add3A_662, %dma_start3A_677] : memref<8192x2048xf32, #tpu.memory_space<hbm>> -> memref<16x2048xf32, #tpu.memory_space<hbm>>
    tpu.enqueue_dma source(%dma_start3A_678 : memref<16x2048xf32, #tpu.memory_space<hbm>>) target(%dma_start3A_676 : memref<16x2048xf32, #tpu.memory_space<vmem>>) target_semaphore(%dma_start3A_672 : memref<!tpu.dma_semaphore, #tpu.memory_space<semaphore_mem>>)
    %add3A_679 = arith.constant 4096 : i32
    %add3A_680 = arith.addi %mul3A_2, %add3A_679 : i32
    %dma_wait3A_681 = arith.constant 2 : i32
    %dma_wait3A_682 = arith.constant 2 : i32
    %dma_wait3A_683 = arith.constant 0 : i32
    %dma_wait3A_684 = arith.constant 0 : i32
    %dma_wait3A_685 = tpu.memref_slice %arg4[%dma_wait3A_681, %dma_wait3A_683, %dma_wait3A_684] : memref<3x16x2048xf32, #tpu.memory_space<vmem>> -> memref<1x16x2048xf32, #tpu.memory_space<vmem>>
    %dma_wait3A_686 = tpu.memref_squeeze %dma_wait3A_685 : memref<1x16x2048xf32, #tpu.memory_space<vmem>> -> memref<16x2048xf32, #tpu.memory_space<vmem>>
    %dma_wait3A_687 = arith.constant 0 : i32
    %dma_wait3A_688 = tpu.memref_slice %arg2[%add3A_680, %dma_wait3A_687] : memref<8192x2048xf32, #tpu.memory_space<hbm>> -> memref<16x2048xf32, #tpu.memory_space<hbm>>
    %dma_wait3A_689 = tpu.memref_slice %arg5[%dma_wait3A_682] : memref<3x!tpu.dma_semaphore, #tpu.memory_space<semaphore_mem>> -> memref<1x!tpu.dma_semaphore, #tpu.memory_space<semaphore_mem>>
    %dma_wait3A_690 = tpu.memref_squeeze %dma_wait3A_689 : memref<1x!tpu.dma_semaphore, #tpu.memory_space<semaphore_mem>> -> memref<!tpu.dma_semaphore, #tpu.memory_space<semaphore_mem>>
    %dma_wait3A_691 = arith.constant 0 : i32
    %dma_wait3A_692 = arith.constant 0 : i32
    %dma_wait3A_693 = tpu.memref_slice %arg4[%dma_wait3A_681, %dma_wait3A_691, %dma_wait3A_692] : memref<3x16x2048xf32, #tpu.memory_space<vmem>> -> memref<1x16x2048xf32, #tpu.memory_space<vmem>>
    %dma_wait3A_694 = tpu.memref_squeeze %dma_wait3A_693 : memref<1x16x2048xf32, #tpu.memory_space<vmem>> -> memref<16x2048xf32, #tpu.memory_space<vmem>>
    %dma_wait3A_695 = arith.constant 0 : i32
    %dma_wait3A_696 = tpu.memref_slice %arg2[%add3A_680, %dma_wait3A_695] : memref<8192x2048xf32, #tpu.memory_space<hbm>> -> memref<16x2048xf32, #tpu.memory_space<hbm>>
    tpu.wait_dma2 semaphore(%dma_wait3A_690 : memref<!tpu.dma_semaphore, #tpu.memory_space<semaphore_mem>>) src(%dma_wait3A_696 : memref<16x2048xf32, #tpu.memory_space<hbm>>) dst(%dma_wait3A_694 : memref<16x2048xf32, #tpu.memory_space<vmem>>)
    %add3A_697 = arith.constant 4096 : i32
    %add3A_698 = arith.addi %mul3A_2, %add3A_697 : i32
    %dma_start3A_699 = arith.constant 2 : i32
    %dma_start3A_700 = arith.constant 0 : i32
    %dma_start3A_701 = arith.constant 2 : i32
    %dma_start3A_702 = arith.constant 0 : i32
    %dma_start3A_703 = arith.constant 0 : i32
    %dma_start3A_704 = tpu.memref_slice %arg4[%dma_start3A_699, %dma_start3A_702, %dma_start3A_703] : memref<3x16x2048xf32, #tpu.memory_space<vmem>> -> memref<1x16x2048xf32, #tpu.memory_space<vmem>>
    %dma_start3A_705 = tpu.memref_squeeze %dma_start3A_704 : memref<1x16x2048xf32, #tpu.memory_space<vmem>> -> memref<16x2048xf32, #tpu.memory_space<vmem>>
    %dma_start3A_706 = arith.constant 0 : i32
    %dma_start3A_707 = tpu.memref_slice %arg3[%dma_start3A_700, %add3A_698, %dma_start3A_706] : memref<1x8192x2048xf32, #tpu.memory_space<hbm>> -> memref<1x16x2048xf32, #tpu.memory_space<hbm>>
    %dma_start3A_708 = tpu.memref_squeeze %dma_start3A_707 : memref<1x16x2048xf32, #tpu.memory_space<hbm>> -> memref<16x2048xf32, #tpu.memory_space<hbm>>
    %dma_start3A_709 = tpu.memref_slice %arg6[%dma_start3A_701] : memref<3x!tpu.dma_semaphore, #tpu.memory_space<semaphore_mem>> -> memref<1x!tpu.dma_semaphore, #tpu.memory_space<semaphore_mem>>
    %dma_start3A_710 = tpu.memref_squeeze %dma_start3A_709 : memref<1x!tpu.dma_semaphore, #tpu.memory_space<semaphore_mem>> -> memref<!tpu.dma_semaphore, #tpu.memory_space<semaphore_mem>>
    %dma_start3A_711 = arith.constant 0 : i32
    %dma_start3A_712 = tpu.memref_slice %arg3[%dma_start3A_700, %add3A_698, %dma_start3A_711] : memref<1x8192x2048xf32, #tpu.memory_space<hbm>> -> memref<1x16x2048xf32, #tpu.memory_space<hbm>>
    %dma_start3A_713 = tpu.memref_squeeze %dma_start3A_712 : memref<1x16x2048xf32, #tpu.memory_space<hbm>> -> memref<16x2048xf32, #tpu.memory_space<hbm>>
    %dma_start3A_714 = arith.constant 0 : i32
    %dma_start3A_715 = arith.constant 0 : i32
    %dma_start3A_716 = tpu.memref_slice %arg4[%dma_start3A_699, %dma_start3A_714, %dma_start3A_715] : memref<3x16x2048xf32, #tpu.memory_space<vmem>> -> memref<1x16x2048xf32, #tpu.memory_space<vmem>>
    %dma_start3A_717 = tpu.memref_squeeze %dma_start3A_716 : memref<1x16x2048xf32, #tpu.memory_space<vmem>> -> memref<16x2048xf32, #tpu.memory_space<vmem>>
    tpu.enqueue_dma source(%dma_start3A_717 : memref<16x2048xf32, #tpu.memory_space<vmem>>) target(%dma_start3A_713 : memref<16x2048xf32, #tpu.memory_space<hbm>>) target_semaphore(%dma_start3A_710 : memref<!tpu.dma_semaphore, #tpu.memory_space<semaphore_mem>>)
    %add3A_718 = arith.constant 4096 : i32
    %add3A_719 = arith.addi %mul3A_2, %add3A_718 : i32
    %dma_wait3A_720 = arith.constant 2 : i32
    %dma_wait3A_721 = arith.constant 0 : i32
    %dma_wait3A_722 = arith.constant 2 : i32
    %dma_wait3A_723 = arith.constant 0 : i32
    %dma_wait3A_724 = arith.constant 0 : i32
    %dma_wait3A_725 = tpu.memref_slice %arg4[%dma_wait3A_720, %dma_wait3A_723, %dma_wait3A_724] : memref<3x16x2048xf32, #tpu.memory_space<vmem>> -> memref<1x16x2048xf32, #tpu.memory_space<vmem>>
    %dma_wait3A_726 = tpu.memref_squeeze %dma_wait3A_725 : memref<1x16x2048xf32, #tpu.memory_space<vmem>> -> memref<16x2048xf32, #tpu.memory_space<vmem>>
    %dma_wait3A_727 = arith.constant 0 : i32
    %dma_wait3A_728 = tpu.memref_slice %arg3[%dma_wait3A_721, %add3A_719, %dma_wait3A_727] : memref<1x8192x2048xf32, #tpu.memory_space<hbm>> -> memref<1x16x2048xf32, #tpu.memory_space<hbm>>
    %dma_wait3A_729 = tpu.memref_squeeze %dma_wait3A_728 : memref<1x16x2048xf32, #tpu.memory_space<hbm>> -> memref<16x2048xf32, #tpu.memory_space<hbm>>
    %dma_wait3A_730 = tpu.memref_slice %arg6[%dma_wait3A_722] : memref<3x!tpu.dma_semaphore, #tpu.memory_space<semaphore_mem>> -> memref<1x!tpu.dma_semaphore, #tpu.memory_space<semaphore_mem>>
    %dma_wait3A_731 = tpu.memref_squeeze %dma_wait3A_730 : memref<1x!tpu.dma_semaphore, #tpu.memory_space<semaphore_mem>> -> memref<!tpu.dma_semaphore, #tpu.memory_space<semaphore_mem>>
    %dma_wait3A_732 = arith.constant 0 : i32
    %dma_wait3A_733 = tpu.memref_slice %arg3[%dma_wait3A_721, %add3A_719, %dma_wait3A_732] : memref<1x8192x2048xf32, #tpu.memory_space<hbm>> -> memref<1x16x2048xf32, #tpu.memory_space<hbm>>
    %dma_wait3A_734 = tpu.memref_squeeze %dma_wait3A_733 : memref<1x16x2048xf32, #tpu.memory_space<hbm>> -> memref<16x2048xf32, #tpu.memory_space<hbm>>
    %dma_wait3A_735 = arith.constant 0 : i32
    %dma_wait3A_736 = arith.constant 0 : i32
    %dma_wait3A_737 = tpu.memref_slice %arg4[%dma_wait3A_720, %dma_wait3A_735, %dma_wait3A_736] : memref<3x16x2048xf32, #tpu.memory_space<vmem>> -> memref<1x16x2048xf32, #tpu.memory_space<vmem>>
    %dma_wait3A_738 = tpu.memref_squeeze %dma_wait3A_737 : memref<1x16x2048xf32, #tpu.memory_space<vmem>> -> memref<16x2048xf32, #tpu.memory_space<vmem>>
    tpu.wait_dma2 semaphore(%dma_wait3A_731 : memref<!tpu.dma_semaphore, #tpu.memory_space<semaphore_mem>>) src(%dma_wait3A_738 : memref<16x2048xf32, #tpu.memory_space<vmem>>) dst(%dma_wait3A_734 : memref<16x2048xf32, #tpu.memory_space<hbm>>)
    %add3A_739 = arith.constant 5632 : i32
    %add3A_740 = arith.addi %mul3A_2, %add3A_739 : i32
    %dma_start3A_741 = arith.constant 2 : i32
    %dma_start3A_742 = arith.constant 2 : i32
    %dma_start3A_743 = arith.constant 0 : i32
    %dma_start3A_744 = arith.constant 0 : i32
    %dma_start3A_745 = tpu.memref_slice %arg4[%dma_start3A_741, %dma_start3A_743, %dma_start3A_744] : memref<3x16x2048xf32, #tpu.memory_space<vmem>> -> memref<1x16x2048xf32, #tpu.memory_space<vmem>>
    %dma_start3A_746 = tpu.memref_squeeze %dma_start3A_745 : memref<1x16x2048xf32, #tpu.memory_space<vmem>> -> memref<16x2048xf32, #tpu.memory_space<vmem>>
    %dma_start3A_747 = arith.constant 0 : i32
    %dma_start3A_748 = tpu.memref_slice %arg2[%add3A_740, %dma_start3A_747] : memref<8192x2048xf32, #tpu.memory_space<hbm>> -> memref<16x2048xf32, #tpu.memory_space<hbm>>
    %dma_start3A_749 = tpu.memref_slice %arg5[%dma_start3A_742] : memref<3x!tpu.dma_semaphore, #tpu.memory_space<semaphore_mem>> -> memref<1x!tpu.dma_semaphore, #tpu.memory_space<semaphore_mem>>
    %dma_start3A_750 = tpu.memref_squeeze %dma_start3A_749 : memref<1x!tpu.dma_semaphore, #tpu.memory_space<semaphore_mem>> -> memref<!tpu.dma_semaphore, #tpu.memory_space<semaphore_mem>>
    %dma_start3A_751 = arith.constant 0 : i32
    %dma_start3A_752 = arith.constant 0 : i32
    %dma_start3A_753 = tpu.memref_slice %arg4[%dma_start3A_741, %dma_start3A_751, %dma_start3A_752] : memref<3x16x2048xf32, #tpu.memory_space<vmem>> -> memref<1x16x2048xf32, #tpu.memory_space<vmem>>
    %dma_start3A_754 = tpu.memref_squeeze %dma_start3A_753 : memref<1x16x2048xf32, #tpu.memory_space<vmem>> -> memref<16x2048xf32, #tpu.memory_space<vmem>>
    %dma_start3A_755 = arith.constant 0 : i32
    %dma_start3A_756 = tpu.memref_slice %arg2[%add3A_740, %dma_start3A_755] : memref<8192x2048xf32, #tpu.memory_space<hbm>> -> memref<16x2048xf32, #tpu.memory_space<hbm>>
    tpu.enqueue_dma source(%dma_start3A_756 : memref<16x2048xf32, #tpu.memory_space<hbm>>) target(%dma_start3A_754 : memref<16x2048xf32, #tpu.memory_space<vmem>>) target_semaphore(%dma_start3A_750 : memref<!tpu.dma_semaphore, #tpu.memory_space<semaphore_mem>>)
    %add3A_757 = arith.constant 4608 : i32
    %add3A_758 = arith.addi %mul3A_2, %add3A_757 : i32
    %dma_wait3A_759 = arith.constant 0 : i32
    %dma_wait3A_760 = arith.constant 0 : i32
    %dma_wait3A_761 = arith.constant 0 : i32
    %dma_wait3A_762 = arith.constant 0 : i32
    %dma_wait3A_763 = tpu.memref_slice %arg4[%dma_wait3A_759, %dma_wait3A_761, %dma_wait3A_762] : memref<3x16x2048xf32, #tpu.memory_space<vmem>> -> memref<1x16x2048xf32, #tpu.memory_space<vmem>>
    %dma_wait3A_764 = tpu.memref_squeeze %dma_wait3A_763 : memref<1x16x2048xf32, #tpu.memory_space<vmem>> -> memref<16x2048xf32, #tpu.memory_space<vmem>>
    %dma_wait3A_765 = arith.constant 0 : i32
    %dma_wait3A_766 = tpu.memref_slice %arg2[%add3A_758, %dma_wait3A_765] : memref<8192x2048xf32, #tpu.memory_space<hbm>> -> memref<16x2048xf32, #tpu.memory_space<hbm>>
    %dma_wait3A_767 = tpu.memref_slice %arg5[%dma_wait3A_760] : memref<3x!tpu.dma_semaphore, #tpu.memory_space<semaphore_mem>> -> memref<1x!tpu.dma_semaphore, #tpu.memory_space<semaphore_mem>>
    %dma_wait3A_768 = tpu.memref_squeeze %dma_wait3A_767 : memref<1x!tpu.dma_semaphore, #tpu.memory_space<semaphore_mem>> -> memref<!tpu.dma_semaphore, #tpu.memory_space<semaphore_mem>>
    %dma_wait3A_769 = arith.constant 0 : i32
    %dma_wait3A_770 = arith.constant 0 : i32
    %dma_wait3A_771 = tpu.memref_slice %arg4[%dma_wait3A_759, %dma_wait3A_769, %dma_wait3A_770] : memref<3x16x2048xf32, #tpu.memory_space<vmem>> -> memref<1x16x2048xf32, #tpu.memory_space<vmem>>
    %dma_wait3A_772 = tpu.memref_squeeze %dma_wait3A_771 : memref<1x16x2048xf32, #tpu.memory_space<vmem>> -> memref<16x2048xf32, #tpu.memory_space<vmem>>
    %dma_wait3A_773 = arith.constant 0 : i32
    %dma_wait3A_774 = tpu.memref_slice %arg2[%add3A_758, %dma_wait3A_773] : memref<8192x2048xf32, #tpu.memory_space<hbm>> -> memref<16x2048xf32, #tpu.memory_space<hbm>>
    tpu.wait_dma2 semaphore(%dma_wait3A_768 : memref<!tpu.dma_semaphore, #tpu.memory_space<semaphore_mem>>) src(%dma_wait3A_774 : memref<16x2048xf32, #tpu.memory_space<hbm>>) dst(%dma_wait3A_772 : memref<16x2048xf32, #tpu.memory_space<vmem>>)
    %add3A_775 = arith.constant 4608 : i32
    %add3A_776 = arith.addi %mul3A_2, %add3A_775 : i32
    %dma_start3A_777 = arith.constant 0 : i32
    %dma_start3A_778 = arith.constant 0 : i32
    %dma_start3A_779 = arith.constant 0 : i32
    %dma_start3A_780 = arith.constant 0 : i32
    %dma_start3A_781 = arith.constant 0 : i32
    %dma_start3A_782 = tpu.memref_slice %arg4[%dma_start3A_777, %dma_start3A_780, %dma_start3A_781] : memref<3x16x2048xf32, #tpu.memory_space<vmem>> -> memref<1x16x2048xf32, #tpu.memory_space<vmem>>
    %dma_start3A_783 = tpu.memref_squeeze %dma_start3A_782 : memref<1x16x2048xf32, #tpu.memory_space<vmem>> -> memref<16x2048xf32, #tpu.memory_space<vmem>>
    %dma_start3A_784 = arith.constant 0 : i32
    %dma_start3A_785 = tpu.memref_slice %arg3[%dma_start3A_778, %add3A_776, %dma_start3A_784] : memref<1x8192x2048xf32, #tpu.memory_space<hbm>> -> memref<1x16x2048xf32, #tpu.memory_space<hbm>>
    %dma_start3A_786 = tpu.memref_squeeze %dma_start3A_785 : memref<1x16x2048xf32, #tpu.memory_space<hbm>> -> memref<16x2048xf32, #tpu.memory_space<hbm>>
    %dma_start3A_787 = tpu.memref_slice %arg6[%dma_start3A_779] : memref<3x!tpu.dma_semaphore, #tpu.memory_space<semaphore_mem>> -> memref<1x!tpu.dma_semaphore, #tpu.memory_space<semaphore_mem>>
    %dma_start3A_788 = tpu.memref_squeeze %dma_start3A_787 : memref<1x!tpu.dma_semaphore, #tpu.memory_space<semaphore_mem>> -> memref<!tpu.dma_semaphore, #tpu.memory_space<semaphore_mem>>
    %dma_start3A_789 = arith.constant 0 : i32
    %dma_start3A_790 = tpu.memref_slice %arg3[%dma_start3A_778, %add3A_776, %dma_start3A_789] : memref<1x8192x2048xf32, #tpu.memory_space<hbm>> -> memref<1x16x2048xf32, #tpu.memory_space<hbm>>
    %dma_start3A_791 = tpu.memref_squeeze %dma_start3A_790 : memref<1x16x2048xf32, #tpu.memory_space<hbm>> -> memref<16x2048xf32, #tpu.memory_space<hbm>>
    %dma_start3A_792 = arith.constant 0 : i32
    %dma_start3A_793 = arith.constant 0 : i32
    %dma_start3A_794 = tpu.memref_slice %arg4[%dma_start3A_777, %dma_start3A_792, %dma_start3A_793] : memref<3x16x2048xf32, #tpu.memory_space<vmem>> -> memref<1x16x2048xf32, #tpu.memory_space<vmem>>
    %dma_start3A_795 = tpu.memref_squeeze %dma_start3A_794 : memref<1x16x2048xf32, #tpu.memory_space<vmem>> -> memref<16x2048xf32, #tpu.memory_space<vmem>>
    tpu.enqueue_dma source(%dma_start3A_795 : memref<16x2048xf32, #tpu.memory_space<vmem>>) target(%dma_start3A_791 : memref<16x2048xf32, #tpu.memory_space<hbm>>) target_semaphore(%dma_start3A_788 : memref<!tpu.dma_semaphore, #tpu.memory_space<semaphore_mem>>)
    %add3A_796 = arith.constant 4608 : i32
    %add3A_797 = arith.addi %mul3A_2, %add3A_796 : i32
    %dma_wait3A_798 = arith.constant 0 : i32
    %dma_wait3A_799 = arith.constant 0 : i32
    %dma_wait3A_800 = arith.constant 0 : i32
    %dma_wait3A_801 = arith.constant 0 : i32
    %dma_wait3A_802 = arith.constant 0 : i32
    %dma_wait3A_803 = tpu.memref_slice %arg4[%dma_wait3A_798, %dma_wait3A_801, %dma_wait3A_802] : memref<3x16x2048xf32, #tpu.memory_space<vmem>> -> memref<1x16x2048xf32, #tpu.memory_space<vmem>>
    %dma_wait3A_804 = tpu.memref_squeeze %dma_wait3A_803 : memref<1x16x2048xf32, #tpu.memory_space<vmem>> -> memref<16x2048xf32, #tpu.memory_space<vmem>>
    %dma_wait3A_805 = arith.constant 0 : i32
    %dma_wait3A_806 = tpu.memref_slice %arg3[%dma_wait3A_799, %add3A_797, %dma_wait3A_805] : memref<1x8192x2048xf32, #tpu.memory_space<hbm>> -> memref<1x16x2048xf32, #tpu.memory_space<hbm>>
    %dma_wait3A_807 = tpu.memref_squeeze %dma_wait3A_806 : memref<1x16x2048xf32, #tpu.memory_space<hbm>> -> memref<16x2048xf32, #tpu.memory_space<hbm>>
    %dma_wait3A_808 = tpu.memref_slice %arg6[%dma_wait3A_800] : memref<3x!tpu.dma_semaphore, #tpu.memory_space<semaphore_mem>> -> memref<1x!tpu.dma_semaphore, #tpu.memory_space<semaphore_mem>>
    %dma_wait3A_809 = tpu.memref_squeeze %dma_wait3A_808 : memref<1x!tpu.dma_semaphore, #tpu.memory_space<semaphore_mem>> -> memref<!tpu.dma_semaphore, #tpu.memory_space<semaphore_mem>>
    %dma_wait3A_810 = arith.constant 0 : i32
    %dma_wait3A_811 = tpu.memref_slice %arg3[%dma_wait3A_799, %add3A_797, %dma_wait3A_810] : memref<1x8192x2048xf32, #tpu.memory_space<hbm>> -> memref<1x16x2048xf32, #tpu.memory_space<hbm>>
    %dma_wait3A_812 = tpu.memref_squeeze %dma_wait3A_811 : memref<1x16x2048xf32, #tpu.memory_space<hbm>> -> memref<16x2048xf32, #tpu.memory_space<hbm>>
    %dma_wait3A_813 = arith.constant 0 : i32
    %dma_wait3A_814 = arith.constant 0 : i32
    %dma_wait3A_815 = tpu.memref_slice %arg4[%dma_wait3A_798, %dma_wait3A_813, %dma_wait3A_814] : memref<3x16x2048xf32, #tpu.memory_space<vmem>> -> memref<1x16x2048xf32, #tpu.memory_space<vmem>>
    %dma_wait3A_816 = tpu.memref_squeeze %dma_wait3A_815 : memref<1x16x2048xf32, #tpu.memory_space<vmem>> -> memref<16x2048xf32, #tpu.memory_space<vmem>>
    tpu.wait_dma2 semaphore(%dma_wait3A_809 : memref<!tpu.dma_semaphore, #tpu.memory_space<semaphore_mem>>) src(%dma_wait3A_816 : memref<16x2048xf32, #tpu.memory_space<vmem>>) dst(%dma_wait3A_812 : memref<16x2048xf32, #tpu.memory_space<hbm>>)
    %add3A_817 = arith.constant 6144 : i32
    %add3A_818 = arith.addi %mul3A_2, %add3A_817 : i32
    %dma_start3A_819 = arith.constant 0 : i32
    %dma_start3A_820 = arith.constant 0 : i32
    %dma_start3A_821 = arith.constant 0 : i32
    %dma_start3A_822 = arith.constant 0 : i32
    %dma_start3A_823 = tpu.memref_slice %arg4[%dma_start3A_819, %dma_start3A_821, %dma_start3A_822] : memref<3x16x2048xf32, #tpu.memory_space<vmem>> -> memref<1x16x2048xf32, #tpu.memory_space<vmem>>
    %dma_start3A_824 = tpu.memref_squeeze %dma_start3A_823 : memref<1x16x2048xf32, #tpu.memory_space<vmem>> -> memref<16x2048xf32, #tpu.memory_space<vmem>>
    %dma_start3A_825 = arith.constant 0 : i32
    %dma_start3A_826 = tpu.memref_slice %arg2[%add3A_818, %dma_start3A_825] : memref<8192x2048xf32, #tpu.memory_space<hbm>> -> memref<16x2048xf32, #tpu.memory_space<hbm>>
    %dma_start3A_827 = tpu.memref_slice %arg5[%dma_start3A_820] : memref<3x!tpu.dma_semaphore, #tpu.memory_space<semaphore_mem>> -> memref<1x!tpu.dma_semaphore, #tpu.memory_space<semaphore_mem>>
    %dma_start3A_828 = tpu.memref_squeeze %dma_start3A_827 : memref<1x!tpu.dma_semaphore, #tpu.memory_space<semaphore_mem>> -> memref<!tpu.dma_semaphore, #tpu.memory_space<semaphore_mem>>
    %dma_start3A_829 = arith.constant 0 : i32
    %dma_start3A_830 = arith.constant 0 : i32
    %dma_start3A_831 = tpu.memref_slice %arg4[%dma_start3A_819, %dma_start3A_829, %dma_start3A_830] : memref<3x16x2048xf32, #tpu.memory_space<vmem>> -> memref<1x16x2048xf32, #tpu.memory_space<vmem>>
    %dma_start3A_832 = tpu.memref_squeeze %dma_start3A_831 : memref<1x16x2048xf32, #tpu.memory_space<vmem>> -> memref<16x2048xf32, #tpu.memory_space<vmem>>
    %dma_start3A_833 = arith.constant 0 : i32
    %dma_start3A_834 = tpu.memref_slice %arg2[%add3A_818, %dma_start3A_833] : memref<8192x2048xf32, #tpu.memory_space<hbm>> -> memref<16x2048xf32, #tpu.memory_space<hbm>>
    tpu.enqueue_dma source(%dma_start3A_834 : memref<16x2048xf32, #tpu.memory_space<hbm>>) target(%dma_start3A_832 : memref<16x2048xf32, #tpu.memory_space<vmem>>) target_semaphore(%dma_start3A_828 : memref<!tpu.dma_semaphore, #tpu.memory_space<semaphore_mem>>)
    %add3A_835 = arith.constant 5120 : i32
    %add3A_836 = arith.addi %mul3A_2, %add3A_835 : i32
    %dma_wait3A_837 = arith.constant 1 : i32
    %dma_wait3A_838 = arith.constant 1 : i32
    %dma_wait3A_839 = arith.constant 0 : i32
    %dma_wait3A_840 = arith.constant 0 : i32
    %dma_wait3A_841 = tpu.memref_slice %arg4[%dma_wait3A_837, %dma_wait3A_839, %dma_wait3A_840] : memref<3x16x2048xf32, #tpu.memory_space<vmem>> -> memref<1x16x2048xf32, #tpu.memory_space<vmem>>
    %dma_wait3A_842 = tpu.memref_squeeze %dma_wait3A_841 : memref<1x16x2048xf32, #tpu.memory_space<vmem>> -> memref<16x2048xf32, #tpu.memory_space<vmem>>
    %dma_wait3A_843 = arith.constant 0 : i32
    %dma_wait3A_844 = tpu.memref_slice %arg2[%add3A_836, %dma_wait3A_843] : memref<8192x2048xf32, #tpu.memory_space<hbm>> -> memref<16x2048xf32, #tpu.memory_space<hbm>>
    %dma_wait3A_845 = tpu.memref_slice %arg5[%dma_wait3A_838] : memref<3x!tpu.dma_semaphore, #tpu.memory_space<semaphore_mem>> -> memref<1x!tpu.dma_semaphore, #tpu.memory_space<semaphore_mem>>
    %dma_wait3A_846 = tpu.memref_squeeze %dma_wait3A_845 : memref<1x!tpu.dma_semaphore, #tpu.memory_space<semaphore_mem>> -> memref<!tpu.dma_semaphore, #tpu.memory_space<semaphore_mem>>
    %dma_wait3A_847 = arith.constant 0 : i32
    %dma_wait3A_848 = arith.constant 0 : i32
    %dma_wait3A_849 = tpu.memref_slice %arg4[%dma_wait3A_837, %dma_wait3A_847, %dma_wait3A_848] : memref<3x16x2048xf32, #tpu.memory_space<vmem>> -> memref<1x16x2048xf32, #tpu.memory_space<vmem>>
    %dma_wait3A_850 = tpu.memref_squeeze %dma_wait3A_849 : memref<1x16x2048xf32, #tpu.memory_space<vmem>> -> memref<16x2048xf32, #tpu.memory_space<vmem>>
    %dma_wait3A_851 = arith.constant 0 : i32
    %dma_wait3A_852 = tpu.memref_slice %arg2[%add3A_836, %dma_wait3A_851] : memref<8192x2048xf32, #tpu.memory_space<hbm>> -> memref<16x2048xf32, #tpu.memory_space<hbm>>
    tpu.wait_dma2 semaphore(%dma_wait3A_846 : memref<!tpu.dma_semaphore, #tpu.memory_space<semaphore_mem>>) src(%dma_wait3A_852 : memref<16x2048xf32, #tpu.memory_space<hbm>>) dst(%dma_wait3A_850 : memref<16x2048xf32, #tpu.memory_space<vmem>>)
    %add3A_853 = arith.constant 5120 : i32
    %add3A_854 = arith.addi %mul3A_2, %add3A_853 : i32
    %dma_start3A_855 = arith.constant 1 : i32
    %dma_start3A_856 = arith.constant 0 : i32
    %dma_start3A_857 = arith.constant 1 : i32
    %dma_start3A_858 = arith.constant 0 : i32
    %dma_start3A_859 = arith.constant 0 : i32
    %dma_start3A_860 = tpu.memref_slice %arg4[%dma_start3A_855, %dma_start3A_858, %dma_start3A_859] : memref<3x16x2048xf32, #tpu.memory_space<vmem>> -> memref<1x16x2048xf32, #tpu.memory_space<vmem>>
    %dma_start3A_861 = tpu.memref_squeeze %dma_start3A_860 : memref<1x16x2048xf32, #tpu.memory_space<vmem>> -> memref<16x2048xf32, #tpu.memory_space<vmem>>
    %dma_start3A_862 = arith.constant 0 : i32
    %dma_start3A_863 = tpu.memref_slice %arg3[%dma_start3A_856, %add3A_854, %dma_start3A_862] : memref<1x8192x2048xf32, #tpu.memory_space<hbm>> -> memref<1x16x2048xf32, #tpu.memory_space<hbm>>
    %dma_start3A_864 = tpu.memref_squeeze %dma_start3A_863 : memref<1x16x2048xf32, #tpu.memory_space<hbm>> -> memref<16x2048xf32, #tpu.memory_space<hbm>>
    %dma_start3A_865 = tpu.memref_slice %arg6[%dma_start3A_857] : memref<3x!tpu.dma_semaphore, #tpu.memory_space<semaphore_mem>> -> memref<1x!tpu.dma_semaphore, #tpu.memory_space<semaphore_mem>>
    %dma_start3A_866 = tpu.memref_squeeze %dma_start3A_865 : memref<1x!tpu.dma_semaphore, #tpu.memory_space<semaphore_mem>> -> memref<!tpu.dma_semaphore, #tpu.memory_space<semaphore_mem>>
    %dma_start3A_867 = arith.constant 0 : i32
    %dma_start3A_868 = tpu.memref_slice %arg3[%dma_start3A_856, %add3A_854, %dma_start3A_867] : memref<1x8192x2048xf32, #tpu.memory_space<hbm>> -> memref<1x16x2048xf32, #tpu.memory_space<hbm>>
    %dma_start3A_869 = tpu.memref_squeeze %dma_start3A_868 : memref<1x16x2048xf32, #tpu.memory_space<hbm>> -> memref<16x2048xf32, #tpu.memory_space<hbm>>
    %dma_start3A_870 = arith.constant 0 : i32
    %dma_start3A_871 = arith.constant 0 : i32
    %dma_start3A_872 = tpu.memref_slice %arg4[%dma_start3A_855, %dma_start3A_870, %dma_start3A_871] : memref<3x16x2048xf32, #tpu.memory_space<vmem>> -> memref<1x16x2048xf32, #tpu.memory_space<vmem>>
    %dma_start3A_873 = tpu.memref_squeeze %dma_start3A_872 : memref<1x16x2048xf32, #tpu.memory_space<vmem>> -> memref<16x2048xf32, #tpu.memory_space<vmem>>
    tpu.enqueue_dma source(%dma_start3A_873 : memref<16x2048xf32, #tpu.memory_space<vmem>>) target(%dma_start3A_869 : memref<16x2048xf32, #tpu.memory_space<hbm>>) target_semaphore(%dma_start3A_866 : memref<!tpu.dma_semaphore, #tpu.memory_space<semaphore_mem>>)
    %add3A_874 = arith.constant 5120 : i32
    %add3A_875 = arith.addi %mul3A_2, %add3A_874 : i32
    %dma_wait3A_876 = arith.constant 1 : i32
    %dma_wait3A_877 = arith.constant 0 : i32
    %dma_wait3A_878 = arith.constant 1 : i32
    %dma_wait3A_879 = arith.constant 0 : i32
    %dma_wait3A_880 = arith.constant 0 : i32
    %dma_wait3A_881 = tpu.memref_slice %arg4[%dma_wait3A_876, %dma_wait3A_879, %dma_wait3A_880] : memref<3x16x2048xf32, #tpu.memory_space<vmem>> -> memref<1x16x2048xf32, #tpu.memory_space<vmem>>
    %dma_wait3A_882 = tpu.memref_squeeze %dma_wait3A_881 : memref<1x16x2048xf32, #tpu.memory_space<vmem>> -> memref<16x2048xf32, #tpu.memory_space<vmem>>
    %dma_wait3A_883 = arith.constant 0 : i32
    %dma_wait3A_884 = tpu.memref_slice %arg3[%dma_wait3A_877, %add3A_875, %dma_wait3A_883] : memref<1x8192x2048xf32, #tpu.memory_space<hbm>> -> memref<1x16x2048xf32, #tpu.memory_space<hbm>>
    %dma_wait3A_885 = tpu.memref_squeeze %dma_wait3A_884 : memref<1x16x2048xf32, #tpu.memory_space<hbm>> -> memref<16x2048xf32, #tpu.memory_space<hbm>>
    %dma_wait3A_886 = tpu.memref_slice %arg6[%dma_wait3A_878] : memref<3x!tpu.dma_semaphore, #tpu.memory_space<semaphore_mem>> -> memref<1x!tpu.dma_semaphore, #tpu.memory_space<semaphore_mem>>
    %dma_wait3A_887 = tpu.memref_squeeze %dma_wait3A_886 : memref<1x!tpu.dma_semaphore, #tpu.memory_space<semaphore_mem>> -> memref<!tpu.dma_semaphore, #tpu.memory_space<semaphore_mem>>
    %dma_wait3A_888 = arith.constant 0 : i32
    %dma_wait3A_889 = tpu.memref_slice %arg3[%dma_wait3A_877, %add3A_875, %dma_wait3A_888] : memref<1x8192x2048xf32, #tpu.memory_space<hbm>> -> memref<1x16x2048xf32, #tpu.memory_space<hbm>>
    %dma_wait3A_890 = tpu.memref_squeeze %dma_wait3A_889 : memref<1x16x2048xf32, #tpu.memory_space<hbm>> -> memref<16x2048xf32, #tpu.memory_space<hbm>>
    %dma_wait3A_891 = arith.constant 0 : i32
    %dma_wait3A_892 = arith.constant 0 : i32
    %dma_wait3A_893 = tpu.memref_slice %arg4[%dma_wait3A_876, %dma_wait3A_891, %dma_wait3A_892] : memref<3x16x2048xf32, #tpu.memory_space<vmem>> -> memref<1x16x2048xf32, #tpu.memory_space<vmem>>
    %dma_wait3A_894 = tpu.memref_squeeze %dma_wait3A_893 : memref<1x16x2048xf32, #tpu.memory_space<vmem>> -> memref<16x2048xf32, #tpu.memory_space<vmem>>
    tpu.wait_dma2 semaphore(%dma_wait3A_887 : memref<!tpu.dma_semaphore, #tpu.memory_space<semaphore_mem>>) src(%dma_wait3A_894 : memref<16x2048xf32, #tpu.memory_space<vmem>>) dst(%dma_wait3A_890 : memref<16x2048xf32, #tpu.memory_space<hbm>>)
    %add3A_895 = arith.constant 6656 : i32
    %add3A_896 = arith.addi %mul3A_2, %add3A_895 : i32
    %dma_start3A_897 = arith.constant 1 : i32
    %dma_start3A_898 = arith.constant 1 : i32
    %dma_start3A_899 = arith.constant 0 : i32
    %dma_start3A_900 = arith.constant 0 : i32
    %dma_start3A_901 = tpu.memref_slice %arg4[%dma_start3A_897, %dma_start3A_899, %dma_start3A_900] : memref<3x16x2048xf32, #tpu.memory_space<vmem>> -> memref<1x16x2048xf32, #tpu.memory_space<vmem>>
    %dma_start3A_902 = tpu.memref_squeeze %dma_start3A_901 : memref<1x16x2048xf32, #tpu.memory_space<vmem>> -> memref<16x2048xf32, #tpu.memory_space<vmem>>
    %dma_start3A_903 = arith.constant 0 : i32
    %dma_start3A_904 = tpu.memref_slice %arg2[%add3A_896, %dma_start3A_903] : memref<8192x2048xf32, #tpu.memory_space<hbm>> -> memref<16x2048xf32, #tpu.memory_space<hbm>>
    %dma_start3A_905 = tpu.memref_slice %arg5[%dma_start3A_898] : memref<3x!tpu.dma_semaphore, #tpu.memory_space<semaphore_mem>> -> memref<1x!tpu.dma_semaphore, #tpu.memory_space<semaphore_mem>>
    %dma_start3A_906 = tpu.memref_squeeze %dma_start3A_905 : memref<1x!tpu.dma_semaphore, #tpu.memory_space<semaphore_mem>> -> memref<!tpu.dma_semaphore, #tpu.memory_space<semaphore_mem>>
    %dma_start3A_907 = arith.constant 0 : i32
    %dma_start3A_908 = arith.constant 0 : i32
    %dma_start3A_909 = tpu.memref_slice %arg4[%dma_start3A_897, %dma_start3A_907, %dma_start3A_908] : memref<3x16x2048xf32, #tpu.memory_space<vmem>> -> memref<1x16x2048xf32, #tpu.memory_space<vmem>>
    %dma_start3A_910 = tpu.memref_squeeze %dma_start3A_909 : memref<1x16x2048xf32, #tpu.memory_space<vmem>> -> memref<16x2048xf32, #tpu.memory_space<vmem>>
    %dma_start3A_911 = arith.constant 0 : i32
    %dma_start3A_912 = tpu.memref_slice %arg2[%add3A_896, %dma_start3A_911] : memref<8192x2048xf32, #tpu.memory_space<hbm>> -> memref<16x2048xf32, #tpu.memory_space<hbm>>
    tpu.enqueue_dma source(%dma_start3A_912 : memref<16x2048xf32, #tpu.memory_space<hbm>>) target(%dma_start3A_910 : memref<16x2048xf32, #tpu.memory_space<vmem>>) target_semaphore(%dma_start3A_906 : memref<!tpu.dma_semaphore, #tpu.memory_space<semaphore_mem>>)
    %add3A_913 = arith.constant 5632 : i32
    %add3A_914 = arith.addi %mul3A_2, %add3A_913 : i32
    %dma_wait3A_915 = arith.constant 2 : i32
    %dma_wait3A_916 = arith.constant 2 : i32
    %dma_wait3A_917 = arith.constant 0 : i32
    %dma_wait3A_918 = arith.constant 0 : i32
    %dma_wait3A_919 = tpu.memref_slice %arg4[%dma_wait3A_915, %dma_wait3A_917, %dma_wait3A_918] : memref<3x16x2048xf32, #tpu.memory_space<vmem>> -> memref<1x16x2048xf32, #tpu.memory_space<vmem>>
    %dma_wait3A_920 = tpu.memref_squeeze %dma_wait3A_919 : memref<1x16x2048xf32, #tpu.memory_space<vmem>> -> memref<16x2048xf32, #tpu.memory_space<vmem>>
    %dma_wait3A_921 = arith.constant 0 : i32
    %dma_wait3A_922 = tpu.memref_slice %arg2[%add3A_914, %dma_wait3A_921] : memref<8192x2048xf32, #tpu.memory_space<hbm>> -> memref<16x2048xf32, #tpu.memory_space<hbm>>
    %dma_wait3A_923 = tpu.memref_slice %arg5[%dma_wait3A_916] : memref<3x!tpu.dma_semaphore, #tpu.memory_space<semaphore_mem>> -> memref<1x!tpu.dma_semaphore, #tpu.memory_space<semaphore_mem>>
    %dma_wait3A_924 = tpu.memref_squeeze %dma_wait3A_923 : memref<1x!tpu.dma_semaphore, #tpu.memory_space<semaphore_mem>> -> memref<!tpu.dma_semaphore, #tpu.memory_space<semaphore_mem>>
    %dma_wait3A_925 = arith.constant 0 : i32
    %dma_wait3A_926 = arith.constant 0 : i32
    %dma_wait3A_927 = tpu.memref_slice %arg4[%dma_wait3A_915, %dma_wait3A_925, %dma_wait3A_926] : memref<3x16x2048xf32, #tpu.memory_space<vmem>> -> memref<1x16x2048xf32, #tpu.memory_space<vmem>>
    %dma_wait3A_928 = tpu.memref_squeeze %dma_wait3A_927 : memref<1x16x2048xf32, #tpu.memory_space<vmem>> -> memref<16x2048xf32, #tpu.memory_space<vmem>>
    %dma_wait3A_929 = arith.constant 0 : i32
    %dma_wait3A_930 = tpu.memref_slice %arg2[%add3A_914, %dma_wait3A_929] : memref<8192x2048xf32, #tpu.memory_space<hbm>> -> memref<16x2048xf32, #tpu.memory_space<hbm>>
    tpu.wait_dma2 semaphore(%dma_wait3A_924 : memref<!tpu.dma_semaphore, #tpu.memory_space<semaphore_mem>>) src(%dma_wait3A_930 : memref<16x2048xf32, #tpu.memory_space<hbm>>) dst(%dma_wait3A_928 : memref<16x2048xf32, #tpu.memory_space<vmem>>)
    %add3A_931 = arith.constant 5632 : i32
    %add3A_932 = arith.addi %mul3A_2, %add3A_931 : i32
    %dma_start3A_933 = arith.constant 2 : i32
    %dma_start3A_934 = arith.constant 0 : i32
    %dma_start3A_935 = arith.constant 2 : i32
    %dma_start3A_936 = arith.constant 0 : i32
    %dma_start3A_937 = arith.constant 0 : i32
    %dma_start3A_938 = tpu.memref_slice %arg4[%dma_start3A_933, %dma_start3A_936, %dma_start3A_937] : memref<3x16x2048xf32, #tpu.memory_space<vmem>> -> memref<1x16x2048xf32, #tpu.memory_space<vmem>>
    %dma_start3A_939 = tpu.memref_squeeze %dma_start3A_938 : memref<1x16x2048xf32, #tpu.memory_space<vmem>> -> memref<16x2048xf32, #tpu.memory_space<vmem>>
    %dma_start3A_940 = arith.constant 0 : i32
    %dma_start3A_941 = tpu.memref_slice %arg3[%dma_start3A_934, %add3A_932, %dma_start3A_940] : memref<1x8192x2048xf32, #tpu.memory_space<hbm>> -> memref<1x16x2048xf32, #tpu.memory_space<hbm>>
    %dma_start3A_942 = tpu.memref_squeeze %dma_start3A_941 : memref<1x16x2048xf32, #tpu.memory_space<hbm>> -> memref<16x2048xf32, #tpu.memory_space<hbm>>
    %dma_start3A_943 = tpu.memref_slice %arg6[%dma_start3A_935] : memref<3x!tpu.dma_semaphore, #tpu.memory_space<semaphore_mem>> -> memref<1x!tpu.dma_semaphore, #tpu.memory_space<semaphore_mem>>
    %dma_start3A_944 = tpu.memref_squeeze %dma_start3A_943 : memref<1x!tpu.dma_semaphore, #tpu.memory_space<semaphore_mem>> -> memref<!tpu.dma_semaphore, #tpu.memory_space<semaphore_mem>>
    %dma_start3A_945 = arith.constant 0 : i32
    %dma_start3A_946 = tpu.memref_slice %arg3[%dma_start3A_934, %add3A_932, %dma_start3A_945] : memref<1x8192x2048xf32, #tpu.memory_space<hbm>> -> memref<1x16x2048xf32, #tpu.memory_space<hbm>>
    %dma_start3A_947 = tpu.memref_squeeze %dma_start3A_946 : memref<1x16x2048xf32, #tpu.memory_space<hbm>> -> memref<16x2048xf32, #tpu.memory_space<hbm>>
    %dma_start3A_948 = arith.constant 0 : i32
    %dma_start3A_949 = arith.constant 0 : i32
    %dma_start3A_950 = tpu.memref_slice %arg4[%dma_start3A_933, %dma_start3A_948, %dma_start3A_949] : memref<3x16x2048xf32, #tpu.memory_space<vmem>> -> memref<1x16x2048xf32, #tpu.memory_space<vmem>>
    %dma_start3A_951 = tpu.memref_squeeze %dma_start3A_950 : memref<1x16x2048xf32, #tpu.memory_space<vmem>> -> memref<16x2048xf32, #tpu.memory_space<vmem>>
    tpu.enqueue_dma source(%dma_start3A_951 : memref<16x2048xf32, #tpu.memory_space<vmem>>) target(%dma_start3A_947 : memref<16x2048xf32, #tpu.memory_space<hbm>>) target_semaphore(%dma_start3A_944 : memref<!tpu.dma_semaphore, #tpu.memory_space<semaphore_mem>>)
    %add3A_952 = arith.constant 5632 : i32
    %add3A_953 = arith.addi %mul3A_2, %add3A_952 : i32
    %dma_wait3A_954 = arith.constant 2 : i32
    %dma_wait3A_955 = arith.constant 0 : i32
    %dma_wait3A_956 = arith.constant 2 : i32
    %dma_wait3A_957 = arith.constant 0 : i32
    %dma_wait3A_958 = arith.constant 0 : i32
    %dma_wait3A_959 = tpu.memref_slice %arg4[%dma_wait3A_954, %dma_wait3A_957, %dma_wait3A_958] : memref<3x16x2048xf32, #tpu.memory_space<vmem>> -> memref<1x16x2048xf32, #tpu.memory_space<vmem>>
    %dma_wait3A_960 = tpu.memref_squeeze %dma_wait3A_959 : memref<1x16x2048xf32, #tpu.memory_space<vmem>> -> memref<16x2048xf32, #tpu.memory_space<vmem>>
    %dma_wait3A_961 = arith.constant 0 : i32
    %dma_wait3A_962 = tpu.memref_slice %arg3[%dma_wait3A_955, %add3A_953, %dma_wait3A_961] : memref<1x8192x2048xf32, #tpu.memory_space<hbm>> -> memref<1x16x2048xf32, #tpu.memory_space<hbm>>
    %dma_wait3A_963 = tpu.memref_squeeze %dma_wait3A_962 : memref<1x16x2048xf32, #tpu.memory_space<hbm>> -> memref<16x2048xf32, #tpu.memory_space<hbm>>
    %dma_wait3A_964 = tpu.memref_slice %arg6[%dma_wait3A_956] : memref<3x!tpu.dma_semaphore, #tpu.memory_space<semaphore_mem>> -> memref<1x!tpu.dma_semaphore, #tpu.memory_space<semaphore_mem>>
    %dma_wait3A_965 = tpu.memref_squeeze %dma_wait3A_964 : memref<1x!tpu.dma_semaphore, #tpu.memory_space<semaphore_mem>> -> memref<!tpu.dma_semaphore, #tpu.memory_space<semaphore_mem>>
    %dma_wait3A_966 = arith.constant 0 : i32
    %dma_wait3A_967 = tpu.memref_slice %arg3[%dma_wait3A_955, %add3A_953, %dma_wait3A_966] : memref<1x8192x2048xf32, #tpu.memory_space<hbm>> -> memref<1x16x2048xf32, #tpu.memory_space<hbm>>
    %dma_wait3A_968 = tpu.memref_squeeze %dma_wait3A_967 : memref<1x16x2048xf32, #tpu.memory_space<hbm>> -> memref<16x2048xf32, #tpu.memory_space<hbm>>
    %dma_wait3A_969 = arith.constant 0 : i32
    %dma_wait3A_970 = arith.constant 0 : i32
    %dma_wait3A_971 = tpu.memref_slice %arg4[%dma_wait3A_954, %dma_wait3A_969, %dma_wait3A_970] : memref<3x16x2048xf32, #tpu.memory_space<vmem>> -> memref<1x16x2048xf32, #tpu.memory_space<vmem>>
    %dma_wait3A_972 = tpu.memref_squeeze %dma_wait3A_971 : memref<1x16x2048xf32, #tpu.memory_space<vmem>> -> memref<16x2048xf32, #tpu.memory_space<vmem>>
    tpu.wait_dma2 semaphore(%dma_wait3A_965 : memref<!tpu.dma_semaphore, #tpu.memory_space<semaphore_mem>>) src(%dma_wait3A_972 : memref<16x2048xf32, #tpu.memory_space<vmem>>) dst(%dma_wait3A_968 : memref<16x2048xf32, #tpu.memory_space<hbm>>)
    %add3A_973 = arith.constant 7168 : i32
    %add3A_974 = arith.addi %mul3A_2, %add3A_973 : i32
    %dma_start3A_975 = arith.constant 2 : i32
    %dma_start3A_976 = arith.constant 2 : i32
    %dma_start3A_977 = arith.constant 0 : i32
    %dma_start3A_978 = arith.constant 0 : i32
    %dma_start3A_979 = tpu.memref_slice %arg4[%dma_start3A_975, %dma_start3A_977, %dma_start3A_978] : memref<3x16x2048xf32, #tpu.memory_space<vmem>> -> memref<1x16x2048xf32, #tpu.memory_space<vmem>>
    %dma_start3A_980 = tpu.memref_squeeze %dma_start3A_979 : memref<1x16x2048xf32, #tpu.memory_space<vmem>> -> memref<16x2048xf32, #tpu.memory_space<vmem>>
    %dma_start3A_981 = arith.constant 0 : i32
    %dma_start3A_982 = tpu.memref_slice %arg2[%add3A_974, %dma_start3A_981] : memref<8192x2048xf32, #tpu.memory_space<hbm>> -> memref<16x2048xf32, #tpu.memory_space<hbm>>
    %dma_start3A_983 = tpu.memref_slice %arg5[%dma_start3A_976] : memref<3x!tpu.dma_semaphore, #tpu.memory_space<semaphore_mem>> -> memref<1x!tpu.dma_semaphore, #tpu.memory_space<semaphore_mem>>
    %dma_start3A_984 = tpu.memref_squeeze %dma_start3A_983 : memref<1x!tpu.dma_semaphore, #tpu.memory_space<semaphore_mem>> -> memref<!tpu.dma_semaphore, #tpu.memory_space<semaphore_mem>>
    %dma_start3A_985 = arith.constant 0 : i32
    %dma_start3A_986 = arith.constant 0 : i32
    %dma_start3A_987 = tpu.memref_slice %arg4[%dma_start3A_975, %dma_start3A_985, %dma_start3A_986] : memref<3x16x2048xf32, #tpu.memory_space<vmem>> -> memref<1x16x2048xf32, #tpu.memory_space<vmem>>
    %dma_start3A_988 = tpu.memref_squeeze %dma_start3A_987 : memref<1x16x2048xf32, #tpu.memory_space<vmem>> -> memref<16x2048xf32, #tpu.memory_space<vmem>>
    %dma_start3A_989 = arith.constant 0 : i32
    %dma_start3A_990 = tpu.memref_slice %arg2[%add3A_974, %dma_start3A_989] : memref<8192x2048xf32, #tpu.memory_space<hbm>> -> memref<16x2048xf32, #tpu.memory_space<hbm>>
    tpu.enqueue_dma source(%dma_start3A_990 : memref<16x2048xf32, #tpu.memory_space<hbm>>) target(%dma_start3A_988 : memref<16x2048xf32, #tpu.memory_space<vmem>>) target_semaphore(%dma_start3A_984 : memref<!tpu.dma_semaphore, #tpu.memory_space<semaphore_mem>>)
    %add3A_991 = arith.constant 6144 : i32
    %add3A_992 = arith.addi %mul3A_2, %add3A_991 : i32
    %dma_wait3A_993 = arith.constant 0 : i32
    %dma_wait3A_994 = arith.constant 0 : i32
    %dma_wait3A_995 = arith.constant 0 : i32
    %dma_wait3A_996 = arith.constant 0 : i32
    %dma_wait3A_997 = tpu.memref_slice %arg4[%dma_wait3A_993, %dma_wait3A_995, %dma_wait3A_996] : memref<3x16x2048xf32, #tpu.memory_space<vmem>> -> memref<1x16x2048xf32, #tpu.memory_space<vmem>>
    %dma_wait3A_998 = tpu.memref_squeeze %dma_wait3A_997 : memref<1x16x2048xf32, #tpu.memory_space<vmem>> -> memref<16x2048xf32, #tpu.memory_space<vmem>>
    %dma_wait3A_999 = arith.constant 0 : i32
    %dma_wait3A_1000 = tpu.memref_slice %arg2[%add3A_992, %dma_wait3A_999] : memref<8192x2048xf32, #tpu.memory_space<hbm>> -> memref<16x2048xf32, #tpu.memory_space<hbm>>
    %dma_wait3A_1001 = tpu.memref_slice %arg5[%dma_wait3A_994] : memref<3x!tpu.dma_semaphore, #tpu.memory_space<semaphore_mem>> -> memref<1x!tpu.dma_semaphore, #tpu.memory_space<semaphore_mem>>
    %dma_wait3A_1002 = tpu.memref_squeeze %dma_wait3A_1001 : memref<1x!tpu.dma_semaphore, #tpu.memory_space<semaphore_mem>> -> memref<!tpu.dma_semaphore, #tpu.memory_space<semaphore_mem>>
    %dma_wait3A_1003 = arith.constant 0 : i32
    %dma_wait3A_1004 = arith.constant 0 : i32
    %dma_wait3A_1005 = tpu.memref_slice %arg4[%dma_wait3A_993, %dma_wait3A_1003, %dma_wait3A_1004] : memref<3x16x2048xf32, #tpu.memory_space<vmem>> -> memref<1x16x2048xf32, #tpu.memory_space<vmem>>
    %dma_wait3A_1006 = tpu.memref_squeeze %dma_wait3A_1005 : memref<1x16x2048xf32, #tpu.memory_space<vmem>> -> memref<16x2048xf32, #tpu.memory_space<vmem>>
    %dma_wait3A_1007 = arith.constant 0 : i32
    %dma_wait3A_1008 = tpu.memref_slice %arg2[%add3A_992, %dma_wait3A_1007] : memref<8192x2048xf32, #tpu.memory_space<hbm>> -> memref<16x2048xf32, #tpu.memory_space<hbm>>
    tpu.wait_dma2 semaphore(%dma_wait3A_1002 : memref<!tpu.dma_semaphore, #tpu.memory_space<semaphore_mem>>) src(%dma_wait3A_1008 : memref<16x2048xf32, #tpu.memory_space<hbm>>) dst(%dma_wait3A_1006 : memref<16x2048xf32, #tpu.memory_space<vmem>>)
    %add3A_1009 = arith.constant 6144 : i32
    %add3A_1010 = arith.addi %mul3A_2, %add3A_1009 : i32
    %dma_start3A_1011 = arith.constant 0 : i32
    %dma_start3A_1012 = arith.constant 0 : i32
    %dma_start3A_1013 = arith.constant 0 : i32
    %dma_start3A_1014 = arith.constant 0 : i32
    %dma_start3A_1015 = arith.constant 0 : i32
    %dma_start3A_1016 = tpu.memref_slice %arg4[%dma_start3A_1011, %dma_start3A_1014, %dma_start3A_1015] : memref<3x16x2048xf32, #tpu.memory_space<vmem>> -> memref<1x16x2048xf32, #tpu.memory_space<vmem>>
    %dma_start3A_1017 = tpu.memref_squeeze %dma_start3A_1016 : memref<1x16x2048xf32, #tpu.memory_space<vmem>> -> memref<16x2048xf32, #tpu.memory_space<vmem>>
    %dma_start3A_1018 = arith.constant 0 : i32
    %dma_start3A_1019 = tpu.memref_slice %arg3[%dma_start3A_1012, %add3A_1010, %dma_start3A_1018] : memref<1x8192x2048xf32, #tpu.memory_space<hbm>> -> memref<1x16x2048xf32, #tpu.memory_space<hbm>>
    %dma_start3A_1020 = tpu.memref_squeeze %dma_start3A_1019 : memref<1x16x2048xf32, #tpu.memory_space<hbm>> -> memref<16x2048xf32, #tpu.memory_space<hbm>>
    %dma_start3A_1021 = tpu.memref_slice %arg6[%dma_start3A_1013] : memref<3x!tpu.dma_semaphore, #tpu.memory_space<semaphore_mem>> -> memref<1x!tpu.dma_semaphore, #tpu.memory_space<semaphore_mem>>
    %dma_start3A_1022 = tpu.memref_squeeze %dma_start3A_1021 : memref<1x!tpu.dma_semaphore, #tpu.memory_space<semaphore_mem>> -> memref<!tpu.dma_semaphore, #tpu.memory_space<semaphore_mem>>
    %dma_start3A_1023 = arith.constant 0 : i32
    %dma_start3A_1024 = tpu.memref_slice %arg3[%dma_start3A_1012, %add3A_1010, %dma_start3A_1023] : memref<1x8192x2048xf32, #tpu.memory_space<hbm>> -> memref<1x16x2048xf32, #tpu.memory_space<hbm>>
    %dma_start3A_1025 = tpu.memref_squeeze %dma_start3A_1024 : memref<1x16x2048xf32, #tpu.memory_space<hbm>> -> memref<16x2048xf32, #tpu.memory_space<hbm>>
    %dma_start3A_1026 = arith.constant 0 : i32
    %dma_start3A_1027 = arith.constant 0 : i32
    %dma_start3A_1028 = tpu.memref_slice %arg4[%dma_start3A_1011, %dma_start3A_1026, %dma_start3A_1027] : memref<3x16x2048xf32, #tpu.memory_space<vmem>> -> memref<1x16x2048xf32, #tpu.memory_space<vmem>>
    %dma_start3A_1029 = tpu.memref_squeeze %dma_start3A_1028 : memref<1x16x2048xf32, #tpu.memory_space<vmem>> -> memref<16x2048xf32, #tpu.memory_space<vmem>>
    tpu.enqueue_dma source(%dma_start3A_1029 : memref<16x2048xf32, #tpu.memory_space<vmem>>) target(%dma_start3A_1025 : memref<16x2048xf32, #tpu.memory_space<hbm>>) target_semaphore(%dma_start3A_1022 : memref<!tpu.dma_semaphore, #tpu.memory_space<semaphore_mem>>)
    %add3A_1030 = arith.constant 6144 : i32
    %add3A_1031 = arith.addi %mul3A_2, %add3A_1030 : i32
    %dma_wait3A_1032 = arith.constant 0 : i32
    %dma_wait3A_1033 = arith.constant 0 : i32
    %dma_wait3A_1034 = arith.constant 0 : i32
    %dma_wait3A_1035 = arith.constant 0 : i32
    %dma_wait3A_1036 = arith.constant 0 : i32
    %dma_wait3A_1037 = tpu.memref_slice %arg4[%dma_wait3A_1032, %dma_wait3A_1035, %dma_wait3A_1036] : memref<3x16x2048xf32, #tpu.memory_space<vmem>> -> memref<1x16x2048xf32, #tpu.memory_space<vmem>>
    %dma_wait3A_1038 = tpu.memref_squeeze %dma_wait3A_1037 : memref<1x16x2048xf32, #tpu.memory_space<vmem>> -> memref<16x2048xf32, #tpu.memory_space<vmem>>
    %dma_wait3A_1039 = arith.constant 0 : i32
    %dma_wait3A_1040 = tpu.memref_slice %arg3[%dma_wait3A_1033, %add3A_1031, %dma_wait3A_1039] : memref<1x8192x2048xf32, #tpu.memory_space<hbm>> -> memref<1x16x2048xf32, #tpu.memory_space<hbm>>
    %dma_wait3A_1041 = tpu.memref_squeeze %dma_wait3A_1040 : memref<1x16x2048xf32, #tpu.memory_space<hbm>> -> memref<16x2048xf32, #tpu.memory_space<hbm>>
    %dma_wait3A_1042 = tpu.memref_slice %arg6[%dma_wait3A_1034] : memref<3x!tpu.dma_semaphore, #tpu.memory_space<semaphore_mem>> -> memref<1x!tpu.dma_semaphore, #tpu.memory_space<semaphore_mem>>
    %dma_wait3A_1043 = tpu.memref_squeeze %dma_wait3A_1042 : memref<1x!tpu.dma_semaphore, #tpu.memory_space<semaphore_mem>> -> memref<!tpu.dma_semaphore, #tpu.memory_space<semaphore_mem>>
    %dma_wait3A_1044 = arith.constant 0 : i32
    %dma_wait3A_1045 = tpu.memref_slice %arg3[%dma_wait3A_1033, %add3A_1031, %dma_wait3A_1044] : memref<1x8192x2048xf32, #tpu.memory_space<hbm>> -> memref<1x16x2048xf32, #tpu.memory_space<hbm>>
    %dma_wait3A_1046 = tpu.memref_squeeze %dma_wait3A_1045 : memref<1x16x2048xf32, #tpu.memory_space<hbm>> -> memref<16x2048xf32, #tpu.memory_space<hbm>>
    %dma_wait3A_1047 = arith.constant 0 : i32
    %dma_wait3A_1048 = arith.constant 0 : i32
    %dma_wait3A_1049 = tpu.memref_slice %arg4[%dma_wait3A_1032, %dma_wait3A_1047, %dma_wait3A_1048] : memref<3x16x2048xf32, #tpu.memory_space<vmem>> -> memref<1x16x2048xf32, #tpu.memory_space<vmem>>
    %dma_wait3A_1050 = tpu.memref_squeeze %dma_wait3A_1049 : memref<1x16x2048xf32, #tpu.memory_space<vmem>> -> memref<16x2048xf32, #tpu.memory_space<vmem>>
    tpu.wait_dma2 semaphore(%dma_wait3A_1043 : memref<!tpu.dma_semaphore, #tpu.memory_space<semaphore_mem>>) src(%dma_wait3A_1050 : memref<16x2048xf32, #tpu.memory_space<vmem>>) dst(%dma_wait3A_1046 : memref<16x2048xf32, #tpu.memory_space<hbm>>)
    %add3A_1051 = arith.constant 7680 : i32
    %add3A_1052 = arith.addi %mul3A_2, %add3A_1051 : i32
    %dma_start3A_1053 = arith.constant 0 : i32
    %dma_start3A_1054 = arith.constant 0 : i32
    %dma_start3A_1055 = arith.constant 0 : i32
    %dma_start3A_1056 = arith.constant 0 : i32
    %dma_start3A_1057 = tpu.memref_slice %arg4[%dma_start3A_1053, %dma_start3A_1055, %dma_start3A_1056] : memref<3x16x2048xf32, #tpu.memory_space<vmem>> -> memref<1x16x2048xf32, #tpu.memory_space<vmem>>
    %dma_start3A_1058 = tpu.memref_squeeze %dma_start3A_1057 : memref<1x16x2048xf32, #tpu.memory_space<vmem>> -> memref<16x2048xf32, #tpu.memory_space<vmem>>
    %dma_start3A_1059 = arith.constant 0 : i32
    %dma_start3A_1060 = tpu.memref_slice %arg2[%add3A_1052, %dma_start3A_1059] : memref<8192x2048xf32, #tpu.memory_space<hbm>> -> memref<16x2048xf32, #tpu.memory_space<hbm>>
    %dma_start3A_1061 = tpu.memref_slice %arg5[%dma_start3A_1054] : memref<3x!tpu.dma_semaphore, #tpu.memory_space<semaphore_mem>> -> memref<1x!tpu.dma_semaphore, #tpu.memory_space<semaphore_mem>>
    %dma_start3A_1062 = tpu.memref_squeeze %dma_start3A_1061 : memref<1x!tpu.dma_semaphore, #tpu.memory_space<semaphore_mem>> -> memref<!tpu.dma_semaphore, #tpu.memory_space<semaphore_mem>>
    %dma_start3A_1063 = arith.constant 0 : i32
    %dma_start3A_1064 = arith.constant 0 : i32
    %dma_start3A_1065 = tpu.memref_slice %arg4[%dma_start3A_1053, %dma_start3A_1063, %dma_start3A_1064] : memref<3x16x2048xf32, #tpu.memory_space<vmem>> -> memref<1x16x2048xf32, #tpu.memory_space<vmem>>
    %dma_start3A_1066 = tpu.memref_squeeze %dma_start3A_1065 : memref<1x16x2048xf32, #tpu.memory_space<vmem>> -> memref<16x2048xf32, #tpu.memory_space<vmem>>
    %dma_start3A_1067 = arith.constant 0 : i32
    %dma_start3A_1068 = tpu.memref_slice %arg2[%add3A_1052, %dma_start3A_1067] : memref<8192x2048xf32, #tpu.memory_space<hbm>> -> memref<16x2048xf32, #tpu.memory_space<hbm>>
    tpu.enqueue_dma source(%dma_start3A_1068 : memref<16x2048xf32, #tpu.memory_space<hbm>>) target(%dma_start3A_1066 : memref<16x2048xf32, #tpu.memory_space<vmem>>) target_semaphore(%dma_start3A_1062 : memref<!tpu.dma_semaphore, #tpu.memory_space<semaphore_mem>>)
    %add3A_1069 = arith.constant 6656 : i32
    %add3A_1070 = arith.addi %mul3A_2, %add3A_1069 : i32
    %dma_wait3A_1071 = arith.constant 1 : i32
    %dma_wait3A_1072 = arith.constant 1 : i32
    %dma_wait3A_1073 = arith.constant 0 : i32
    %dma_wait3A_1074 = arith.constant 0 : i32
    %dma_wait3A_1075 = tpu.memref_slice %arg4[%dma_wait3A_1071, %dma_wait3A_1073, %dma_wait3A_1074] : memref<3x16x2048xf32, #tpu.memory_space<vmem>> -> memref<1x16x2048xf32, #tpu.memory_space<vmem>>
    %dma_wait3A_1076 = tpu.memref_squeeze %dma_wait3A_1075 : memref<1x16x2048xf32, #tpu.memory_space<vmem>> -> memref<16x2048xf32, #tpu.memory_space<vmem>>
    %dma_wait3A_1077 = arith.constant 0 : i32
    %dma_wait3A_1078 = tpu.memref_slice %arg2[%add3A_1070, %dma_wait3A_1077] : memref<8192x2048xf32, #tpu.memory_space<hbm>> -> memref<16x2048xf32, #tpu.memory_space<hbm>>
    %dma_wait3A_1079 = tpu.memref_slice %arg5[%dma_wait3A_1072] : memref<3x!tpu.dma_semaphore, #tpu.memory_space<semaphore_mem>> -> memref<1x!tpu.dma_semaphore, #tpu.memory_space<semaphore_mem>>
    %dma_wait3A_1080 = tpu.memref_squeeze %dma_wait3A_1079 : memref<1x!tpu.dma_semaphore, #tpu.memory_space<semaphore_mem>> -> memref<!tpu.dma_semaphore, #tpu.memory_space<semaphore_mem>>
    %dma_wait3A_1081 = arith.constant 0 : i32
    %dma_wait3A_1082 = arith.constant 0 : i32
    %dma_wait3A_1083 = tpu.memref_slice %arg4[%dma_wait3A_1071, %dma_wait3A_1081, %dma_wait3A_1082] : memref<3x16x2048xf32, #tpu.memory_space<vmem>> -> memref<1x16x2048xf32, #tpu.memory_space<vmem>>
    %dma_wait3A_1084 = tpu.memref_squeeze %dma_wait3A_1083 : memref<1x16x2048xf32, #tpu.memory_space<vmem>> -> memref<16x2048xf32, #tpu.memory_space<vmem>>
    %dma_wait3A_1085 = arith.constant 0 : i32
    %dma_wait3A_1086 = tpu.memref_slice %arg2[%add3A_1070, %dma_wait3A_1085] : memref<8192x2048xf32, #tpu.memory_space<hbm>> -> memref<16x2048xf32, #tpu.memory_space<hbm>>
    tpu.wait_dma2 semaphore(%dma_wait3A_1080 : memref<!tpu.dma_semaphore, #tpu.memory_space<semaphore_mem>>) src(%dma_wait3A_1086 : memref<16x2048xf32, #tpu.memory_space<hbm>>) dst(%dma_wait3A_1084 : memref<16x2048xf32, #tpu.memory_space<vmem>>)
    %add3A_1087 = arith.constant 6656 : i32
    %add3A_1088 = arith.addi %mul3A_2, %add3A_1087 : i32
    %dma_start3A_1089 = arith.constant 1 : i32
    %dma_start3A_1090 = arith.constant 0 : i32
    %dma_start3A_1091 = arith.constant 1 : i32
    %dma_start3A_1092 = arith.constant 0 : i32
    %dma_start3A_1093 = arith.constant 0 : i32
    %dma_start3A_1094 = tpu.memref_slice %arg4[%dma_start3A_1089, %dma_start3A_1092, %dma_start3A_1093] : memref<3x16x2048xf32, #tpu.memory_space<vmem>> -> memref<1x16x2048xf32, #tpu.memory_space<vmem>>
    %dma_start3A_1095 = tpu.memref_squeeze %dma_start3A_1094 : memref<1x16x2048xf32, #tpu.memory_space<vmem>> -> memref<16x2048xf32, #tpu.memory_space<vmem>>
    %dma_start3A_1096 = arith.constant 0 : i32
    %dma_start3A_1097 = tpu.memref_slice %arg3[%dma_start3A_1090, %add3A_1088, %dma_start3A_1096] : memref<1x8192x2048xf32, #tpu.memory_space<hbm>> -> memref<1x16x2048xf32, #tpu.memory_space<hbm>>
    %dma_start3A_1098 = tpu.memref_squeeze %dma_start3A_1097 : memref<1x16x2048xf32, #tpu.memory_space<hbm>> -> memref<16x2048xf32, #tpu.memory_space<hbm>>
    %dma_start3A_1099 = tpu.memref_slice %arg6[%dma_start3A_1091] : memref<3x!tpu.dma_semaphore, #tpu.memory_space<semaphore_mem>> -> memref<1x!tpu.dma_semaphore, #tpu.memory_space<semaphore_mem>>
    %dma_start3A_1100 = tpu.memref_squeeze %dma_start3A_1099 : memref<1x!tpu.dma_semaphore, #tpu.memory_space<semaphore_mem>> -> memref<!tpu.dma_semaphore, #tpu.memory_space<semaphore_mem>>
    %dma_start3A_1101 = arith.constant 0 : i32
    %dma_start3A_1102 = tpu.memref_slice %arg3[%dma_start3A_1090, %add3A_1088, %dma_start3A_1101] : memref<1x8192x2048xf32, #tpu.memory_space<hbm>> -> memref<1x16x2048xf32, #tpu.memory_space<hbm>>
    %dma_start3A_1103 = tpu.memref_squeeze %dma_start3A_1102 : memref<1x16x2048xf32, #tpu.memory_space<hbm>> -> memref<16x2048xf32, #tpu.memory_space<hbm>>
    %dma_start3A_1104 = arith.constant 0 : i32
    %dma_start3A_1105 = arith.constant 0 : i32
    %dma_start3A_1106 = tpu.memref_slice %arg4[%dma_start3A_1089, %dma_start3A_1104, %dma_start3A_1105] : memref<3x16x2048xf32, #tpu.memory_space<vmem>> -> memref<1x16x2048xf32, #tpu.memory_space<vmem>>
    %dma_start3A_1107 = tpu.memref_squeeze %dma_start3A_1106 : memref<1x16x2048xf32, #tpu.memory_space<vmem>> -> memref<16x2048xf32, #tpu.memory_space<vmem>>
    tpu.enqueue_dma source(%dma_start3A_1107 : memref<16x2048xf32, #tpu.memory_space<vmem>>) target(%dma_start3A_1103 : memref<16x2048xf32, #tpu.memory_space<hbm>>) target_semaphore(%dma_start3A_1100 : memref<!tpu.dma_semaphore, #tpu.memory_space<semaphore_mem>>)
    %add3A_1108 = arith.constant 7168 : i32
    %add3A_1109 = arith.addi %mul3A_2, %add3A_1108 : i32
    %dma_wait3A_1110 = arith.constant 2 : i32
    %dma_wait3A_1111 = arith.constant 2 : i32
    %dma_wait3A_1112 = arith.constant 0 : i32
    %dma_wait3A_1113 = arith.constant 0 : i32
    %dma_wait3A_1114 = tpu.memref_slice %arg4[%dma_wait3A_1110, %dma_wait3A_1112, %dma_wait3A_1113] : memref<3x16x2048xf32, #tpu.memory_space<vmem>> -> memref<1x16x2048xf32, #tpu.memory_space<vmem>>
    %dma_wait3A_1115 = tpu.memref_squeeze %dma_wait3A_1114 : memref<1x16x2048xf32, #tpu.memory_space<vmem>> -> memref<16x2048xf32, #tpu.memory_space<vmem>>
    %dma_wait3A_1116 = arith.constant 0 : i32
    %dma_wait3A_1117 = tpu.memref_slice %arg2[%add3A_1109, %dma_wait3A_1116] : memref<8192x2048xf32, #tpu.memory_space<hbm>> -> memref<16x2048xf32, #tpu.memory_space<hbm>>
    %dma_wait3A_1118 = tpu.memref_slice %arg5[%dma_wait3A_1111] : memref<3x!tpu.dma_semaphore, #tpu.memory_space<semaphore_mem>> -> memref<1x!tpu.dma_semaphore, #tpu.memory_space<semaphore_mem>>
    %dma_wait3A_1119 = tpu.memref_squeeze %dma_wait3A_1118 : memref<1x!tpu.dma_semaphore, #tpu.memory_space<semaphore_mem>> -> memref<!tpu.dma_semaphore, #tpu.memory_space<semaphore_mem>>
    %dma_wait3A_1120 = arith.constant 0 : i32
    %dma_wait3A_1121 = arith.constant 0 : i32
    %dma_wait3A_1122 = tpu.memref_slice %arg4[%dma_wait3A_1110, %dma_wait3A_1120, %dma_wait3A_1121] : memref<3x16x2048xf32, #tpu.memory_space<vmem>> -> memref<1x16x2048xf32, #tpu.memory_space<vmem>>
    %dma_wait3A_1123 = tpu.memref_squeeze %dma_wait3A_1122 : memref<1x16x2048xf32, #tpu.memory_space<vmem>> -> memref<16x2048xf32, #tpu.memory_space<vmem>>
    %dma_wait3A_1124 = arith.constant 0 : i32
    %dma_wait3A_1125 = tpu.memref_slice %arg2[%add3A_1109, %dma_wait3A_1124] : memref<8192x2048xf32, #tpu.memory_space<hbm>> -> memref<16x2048xf32, #tpu.memory_space<hbm>>
    tpu.wait_dma2 semaphore(%dma_wait3A_1119 : memref<!tpu.dma_semaphore, #tpu.memory_space<semaphore_mem>>) src(%dma_wait3A_1125 : memref<16x2048xf32, #tpu.memory_space<hbm>>) dst(%dma_wait3A_1123 : memref<16x2048xf32, #tpu.memory_space<vmem>>)
    %add3A_1126 = arith.constant 7168 : i32
    %add3A_1127 = arith.addi %mul3A_2, %add3A_1126 : i32
    %dma_start3A_1128 = arith.constant 2 : i32
    %dma_start3A_1129 = arith.constant 0 : i32
    %dma_start3A_1130 = arith.constant 2 : i32
    %dma_start3A_1131 = arith.constant 0 : i32
    %dma_start3A_1132 = arith.constant 0 : i32
    %dma_start3A_1133 = tpu.memref_slice %arg4[%dma_start3A_1128, %dma_start3A_1131, %dma_start3A_1132] : memref<3x16x2048xf32, #tpu.memory_space<vmem>> -> memref<1x16x2048xf32, #tpu.memory_space<vmem>>
    %dma_start3A_1134 = tpu.memref_squeeze %dma_start3A_1133 : memref<1x16x2048xf32, #tpu.memory_space<vmem>> -> memref<16x2048xf32, #tpu.memory_space<vmem>>
    %dma_start3A_1135 = arith.constant 0 : i32
    %dma_start3A_1136 = tpu.memref_slice %arg3[%dma_start3A_1129, %add3A_1127, %dma_start3A_1135] : memref<1x8192x2048xf32, #tpu.memory_space<hbm>> -> memref<1x16x2048xf32, #tpu.memory_space<hbm>>
    %dma_start3A_1137 = tpu.memref_squeeze %dma_start3A_1136 : memref<1x16x2048xf32, #tpu.memory_space<hbm>> -> memref<16x2048xf32, #tpu.memory_space<hbm>>
    %dma_start3A_1138 = tpu.memref_slice %arg6[%dma_start3A_1130] : memref<3x!tpu.dma_semaphore, #tpu.memory_space<semaphore_mem>> -> memref<1x!tpu.dma_semaphore, #tpu.memory_space<semaphore_mem>>
    %dma_start3A_1139 = tpu.memref_squeeze %dma_start3A_1138 : memref<1x!tpu.dma_semaphore, #tpu.memory_space<semaphore_mem>> -> memref<!tpu.dma_semaphore, #tpu.memory_space<semaphore_mem>>
    %dma_start3A_1140 = arith.constant 0 : i32
    %dma_start3A_1141 = tpu.memref_slice %arg3[%dma_start3A_1129, %add3A_1127, %dma_start3A_1140] : memref<1x8192x2048xf32, #tpu.memory_space<hbm>> -> memref<1x16x2048xf32, #tpu.memory_space<hbm>>
    %dma_start3A_1142 = tpu.memref_squeeze %dma_start3A_1141 : memref<1x16x2048xf32, #tpu.memory_space<hbm>> -> memref<16x2048xf32, #tpu.memory_space<hbm>>
    %dma_start3A_1143 = arith.constant 0 : i32
    %dma_start3A_1144 = arith.constant 0 : i32
    %dma_start3A_1145 = tpu.memref_slice %arg4[%dma_start3A_1128, %dma_start3A_1143, %dma_start3A_1144] : memref<3x16x2048xf32, #tpu.memory_space<vmem>> -> memref<1x16x2048xf32, #tpu.memory_space<vmem>>
    %dma_start3A_1146 = tpu.memref_squeeze %dma_start3A_1145 : memref<1x16x2048xf32, #tpu.memory_space<vmem>> -> memref<16x2048xf32, #tpu.memory_space<vmem>>
    tpu.enqueue_dma source(%dma_start3A_1146 : memref<16x2048xf32, #tpu.memory_space<vmem>>) target(%dma_start3A_1142 : memref<16x2048xf32, #tpu.memory_space<hbm>>) target_semaphore(%dma_start3A_1139 : memref<!tpu.dma_semaphore, #tpu.memory_space<semaphore_mem>>)
    %add3A_1147 = arith.constant 7680 : i32
    %add3A_1148 = arith.addi %mul3A_2, %add3A_1147 : i32
    %dma_wait3A_1149 = arith.constant 0 : i32
    %dma_wait3A_1150 = arith.constant 0 : i32
    %dma_wait3A_1151 = arith.constant 0 : i32
    %dma_wait3A_1152 = arith.constant 0 : i32
    %dma_wait3A_1153 = tpu.memref_slice %arg4[%dma_wait3A_1149, %dma_wait3A_1151, %dma_wait3A_1152] : memref<3x16x2048xf32, #tpu.memory_space<vmem>> -> memref<1x16x2048xf32, #tpu.memory_space<vmem>>
    %dma_wait3A_1154 = tpu.memref_squeeze %dma_wait3A_1153 : memref<1x16x2048xf32, #tpu.memory_space<vmem>> -> memref<16x2048xf32, #tpu.memory_space<vmem>>
    %dma_wait3A_1155 = arith.constant 0 : i32
    %dma_wait3A_1156 = tpu.memref_slice %arg2[%add3A_1148, %dma_wait3A_1155] : memref<8192x2048xf32, #tpu.memory_space<hbm>> -> memref<16x2048xf32, #tpu.memory_space<hbm>>
    %dma_wait3A_1157 = tpu.memref_slice %arg5[%dma_wait3A_1150] : memref<3x!tpu.dma_semaphore, #tpu.memory_space<semaphore_mem>> -> memref<1x!tpu.dma_semaphore, #tpu.memory_space<semaphore_mem>>
    %dma_wait3A_1158 = tpu.memref_squeeze %dma_wait3A_1157 : memref<1x!tpu.dma_semaphore, #tpu.memory_space<semaphore_mem>> -> memref<!tpu.dma_semaphore, #tpu.memory_space<semaphore_mem>>
    %dma_wait3A_1159 = arith.constant 0 : i32
    %dma_wait3A_1160 = arith.constant 0 : i32
    %dma_wait3A_1161 = tpu.memref_slice %arg4[%dma_wait3A_1149, %dma_wait3A_1159, %dma_wait3A_1160] : memref<3x16x2048xf32, #tpu.memory_space<vmem>> -> memref<1x16x2048xf32, #tpu.memory_space<vmem>>
    %dma_wait3A_1162 = tpu.memref_squeeze %dma_wait3A_1161 : memref<1x16x2048xf32, #tpu.memory_space<vmem>> -> memref<16x2048xf32, #tpu.memory_space<vmem>>
    %dma_wait3A_1163 = arith.constant 0 : i32
    %dma_wait3A_1164 = tpu.memref_slice %arg2[%add3A_1148, %dma_wait3A_1163] : memref<8192x2048xf32, #tpu.memory_space<hbm>> -> memref<16x2048xf32, #tpu.memory_space<hbm>>
    tpu.wait_dma2 semaphore(%dma_wait3A_1158 : memref<!tpu.dma_semaphore, #tpu.memory_space<semaphore_mem>>) src(%dma_wait3A_1164 : memref<16x2048xf32, #tpu.memory_space<hbm>>) dst(%dma_wait3A_1162 : memref<16x2048xf32, #tpu.memory_space<vmem>>)
    %add3A_1165 = arith.constant 7680 : i32
    %add3A_1166 = arith.addi %mul3A_2, %add3A_1165 : i32
    %dma_start3A_1167 = arith.constant 0 : i32
    %dma_start3A_1168 = arith.constant 0 : i32
    %dma_start3A_1169 = arith.constant 0 : i32
    %dma_start3A_1170 = arith.constant 0 : i32
    %dma_start3A_1171 = arith.constant 0 : i32
    %dma_start3A_1172 = tpu.memref_slice %arg4[%dma_start3A_1167, %dma_start3A_1170, %dma_start3A_1171] : memref<3x16x2048xf32, #tpu.memory_space<vmem>> -> memref<1x16x2048xf32, #tpu.memory_space<vmem>>
    %dma_start3A_1173 = tpu.memref_squeeze %dma_start3A_1172 : memref<1x16x2048xf32, #tpu.memory_space<vmem>> -> memref<16x2048xf32, #tpu.memory_space<vmem>>
    %dma_start3A_1174 = arith.constant 0 : i32
    %dma_start3A_1175 = tpu.memref_slice %arg3[%dma_start3A_1168, %add3A_1166, %dma_start3A_1174] : memref<1x8192x2048xf32, #tpu.memory_space<hbm>> -> memref<1x16x2048xf32, #tpu.memory_space<hbm>>
    %dma_start3A_1176 = tpu.memref_squeeze %dma_start3A_1175 : memref<1x16x2048xf32, #tpu.memory_space<hbm>> -> memref<16x2048xf32, #tpu.memory_space<hbm>>
    %dma_start3A_1177 = tpu.memref_slice %arg6[%dma_start3A_1169] : memref<3x!tpu.dma_semaphore, #tpu.memory_space<semaphore_mem>> -> memref<1x!tpu.dma_semaphore, #tpu.memory_space<semaphore_mem>>
    %dma_start3A_1178 = tpu.memref_squeeze %dma_start3A_1177 : memref<1x!tpu.dma_semaphore, #tpu.memory_space<semaphore_mem>> -> memref<!tpu.dma_semaphore, #tpu.memory_space<semaphore_mem>>
    %dma_start3A_1179 = arith.constant 0 : i32
    %dma_start3A_1180 = tpu.memref_slice %arg3[%dma_start3A_1168, %add3A_1166, %dma_start3A_1179] : memref<1x8192x2048xf32, #tpu.memory_space<hbm>> -> memref<1x16x2048xf32, #tpu.memory_space<hbm>>
    %dma_start3A_1181 = tpu.memref_squeeze %dma_start3A_1180 : memref<1x16x2048xf32, #tpu.memory_space<hbm>> -> memref<16x2048xf32, #tpu.memory_space<hbm>>
    %dma_start3A_1182 = arith.constant 0 : i32
    %dma_start3A_1183 = arith.constant 0 : i32
    %dma_start3A_1184 = tpu.memref_slice %arg4[%dma_start3A_1167, %dma_start3A_1182, %dma_start3A_1183] : memref<3x16x2048xf32, #tpu.memory_space<vmem>> -> memref<1x16x2048xf32, #tpu.memory_space<vmem>>
    %dma_start3A_1185 = tpu.memref_squeeze %dma_start3A_1184 : memref<1x16x2048xf32, #tpu.memory_space<vmem>> -> memref<16x2048xf32, #tpu.memory_space<vmem>>
    tpu.enqueue_dma source(%dma_start3A_1185 : memref<16x2048xf32, #tpu.memory_space<vmem>>) target(%dma_start3A_1181 : memref<16x2048xf32, #tpu.memory_space<hbm>>) target_semaphore(%dma_start3A_1178 : memref<!tpu.dma_semaphore, #tpu.memory_space<semaphore_mem>>)
    %add3A_1186 = arith.constant 6656 : i32
    %add3A_1187 = arith.addi %mul3A_2, %add3A_1186 : i32
    %dma_wait3A_1188 = arith.constant 1 : i32
    %dma_wait3A_1189 = arith.constant 0 : i32
    %dma_wait3A_1190 = arith.constant 1 : i32
    %dma_wait3A_1191 = arith.constant 0 : i32
    %dma_wait3A_1192 = arith.constant 0 : i32
    %dma_wait3A_1193 = tpu.memref_slice %arg4[%dma_wait3A_1188, %dma_wait3A_1191, %dma_wait3A_1192] : memref<3x16x2048xf32, #tpu.memory_space<vmem>> -> memref<1x16x2048xf32, #tpu.memory_space<vmem>>
    %dma_wait3A_1194 = tpu.memref_squeeze %dma_wait3A_1193 : memref<1x16x2048xf32, #tpu.memory_space<vmem>> -> memref<16x2048xf32, #tpu.memory_space<vmem>>
    %dma_wait3A_1195 = arith.constant 0 : i32
    %dma_wait3A_1196 = tpu.memref_slice %arg3[%dma_wait3A_1189, %add3A_1187, %dma_wait3A_1195] : memref<1x8192x2048xf32, #tpu.memory_space<hbm>> -> memref<1x16x2048xf32, #tpu.memory_space<hbm>>
    %dma_wait3A_1197 = tpu.memref_squeeze %dma_wait3A_1196 : memref<1x16x2048xf32, #tpu.memory_space<hbm>> -> memref<16x2048xf32, #tpu.memory_space<hbm>>
    %dma_wait3A_1198 = tpu.memref_slice %arg6[%dma_wait3A_1190] : memref<3x!tpu.dma_semaphore, #tpu.memory_space<semaphore_mem>> -> memref<1x!tpu.dma_semaphore, #tpu.memory_space<semaphore_mem>>
    %dma_wait3A_1199 = tpu.memref_squeeze %dma_wait3A_1198 : memref<1x!tpu.dma_semaphore, #tpu.memory_space<semaphore_mem>> -> memref<!tpu.dma_semaphore, #tpu.memory_space<semaphore_mem>>
    %dma_wait3A_1200 = arith.constant 0 : i32
    %dma_wait3A_1201 = tpu.memref_slice %arg3[%dma_wait3A_1189, %add3A_1187, %dma_wait3A_1200] : memref<1x8192x2048xf32, #tpu.memory_space<hbm>> -> memref<1x16x2048xf32, #tpu.memory_space<hbm>>
    %dma_wait3A_1202 = tpu.memref_squeeze %dma_wait3A_1201 : memref<1x16x2048xf32, #tpu.memory_space<hbm>> -> memref<16x2048xf32, #tpu.memory_space<hbm>>
    %dma_wait3A_1203 = arith.constant 0 : i32
    %dma_wait3A_1204 = arith.constant 0 : i32
    %dma_wait3A_1205 = tpu.memref_slice %arg4[%dma_wait3A_1188, %dma_wait3A_1203, %dma_wait3A_1204] : memref<3x16x2048xf32, #tpu.memory_space<vmem>> -> memref<1x16x2048xf32, #tpu.memory_space<vmem>>
    %dma_wait3A_1206 = tpu.memref_squeeze %dma_wait3A_1205 : memref<1x16x2048xf32, #tpu.memory_space<vmem>> -> memref<16x2048xf32, #tpu.memory_space<vmem>>
    tpu.wait_dma2 semaphore(%dma_wait3A_1199 : memref<!tpu.dma_semaphore, #tpu.memory_space<semaphore_mem>>) src(%dma_wait3A_1206 : memref<16x2048xf32, #tpu.memory_space<vmem>>) dst(%dma_wait3A_1202 : memref<16x2048xf32, #tpu.memory_space<hbm>>)
    %add3A_1207 = arith.constant 7168 : i32
    %add3A_1208 = arith.addi %mul3A_2, %add3A_1207 : i32
    %dma_wait3A_1209 = arith.constant 2 : i32
    %dma_wait3A_1210 = arith.constant 0 : i32
    %dma_wait3A_1211 = arith.constant 2 : i32
    %dma_wait3A_1212 = arith.constant 0 : i32
    %dma_wait3A_1213 = arith.constant 0 : i32
    %dma_wait3A_1214 = tpu.memref_slice %arg4[%dma_wait3A_1209, %dma_wait3A_1212, %dma_wait3A_1213] : memref<3x16x2048xf32, #tpu.memory_space<vmem>> -> memref<1x16x2048xf32, #tpu.memory_space<vmem>>
    %dma_wait3A_1215 = tpu.memref_squeeze %dma_wait3A_1214 : memref<1x16x2048xf32, #tpu.memory_space<vmem>> -> memref<16x2048xf32, #tpu.memory_space<vmem>>
    %dma_wait3A_1216 = arith.constant 0 : i32
    %dma_wait3A_1217 = tpu.memref_slice %arg3[%dma_wait3A_1210, %add3A_1208, %dma_wait3A_1216] : memref<1x8192x2048xf32, #tpu.memory_space<hbm>> -> memref<1x16x2048xf32, #tpu.memory_space<hbm>>
    %dma_wait3A_1218 = tpu.memref_squeeze %dma_wait3A_1217 : memref<1x16x2048xf32, #tpu.memory_space<hbm>> -> memref<16x2048xf32, #tpu.memory_space<hbm>>
    %dma_wait3A_1219 = tpu.memref_slice %arg6[%dma_wait3A_1211] : memref<3x!tpu.dma_semaphore, #tpu.memory_space<semaphore_mem>> -> memref<1x!tpu.dma_semaphore, #tpu.memory_space<semaphore_mem>>
    %dma_wait3A_1220 = tpu.memref_squeeze %dma_wait3A_1219 : memref<1x!tpu.dma_semaphore, #tpu.memory_space<semaphore_mem>> -> memref<!tpu.dma_semaphore, #tpu.memory_space<semaphore_mem>>
    %dma_wait3A_1221 = arith.constant 0 : i32
    %dma_wait3A_1222 = tpu.memref_slice %arg3[%dma_wait3A_1210, %add3A_1208, %dma_wait3A_1221] : memref<1x8192x2048xf32, #tpu.memory_space<hbm>> -> memref<1x16x2048xf32, #tpu.memory_space<hbm>>
    %dma_wait3A_1223 = tpu.memref_squeeze %dma_wait3A_1222 : memref<1x16x2048xf32, #tpu.memory_space<hbm>> -> memref<16x2048xf32, #tpu.memory_space<hbm>>
    %dma_wait3A_1224 = arith.constant 0 : i32
    %dma_wait3A_1225 = arith.constant 0 : i32
    %dma_wait3A_1226 = tpu.memref_slice %arg4[%dma_wait3A_1209, %dma_wait3A_1224, %dma_wait3A_1225] : memref<3x16x2048xf32, #tpu.memory_space<vmem>> -> memref<1x16x2048xf32, #tpu.memory_space<vmem>>
    %dma_wait3A_1227 = tpu.memref_squeeze %dma_wait3A_1226 : memref<1x16x2048xf32, #tpu.memory_space<vmem>> -> memref<16x2048xf32, #tpu.memory_space<vmem>>
    tpu.wait_dma2 semaphore(%dma_wait3A_1220 : memref<!tpu.dma_semaphore, #tpu.memory_space<semaphore_mem>>) src(%dma_wait3A_1227 : memref<16x2048xf32, #tpu.memory_space<vmem>>) dst(%dma_wait3A_1223 : memref<16x2048xf32, #tpu.memory_space<hbm>>)
    %add3A_1228 = arith.constant 7680 : i32
    %add3A_1229 = arith.addi %mul3A_2, %add3A_1228 : i32
    %dma_wait3A_1230 = arith.constant 0 : i32
    %dma_wait3A_1231 = arith.constant 0 : i32
    %dma_wait3A_1232 = arith.constant 0 : i32
    %dma_wait3A_1233 = arith.constant 0 : i32
    %dma_wait3A_1234 = arith.constant 0 : i32
    %dma_wait3A_1235 = tpu.memref_slice %arg4[%dma_wait3A_1230, %dma_wait3A_1233, %dma_wait3A_1234] : memref<3x16x2048xf32, #tpu.memory_space<vmem>> -> memref<1x16x2048xf32, #tpu.memory_space<vmem>>
    %dma_wait3A_1236 = tpu.memref_squeeze %dma_wait3A_1235 : memref<1x16x2048xf32, #tpu.memory_space<vmem>> -> memref<16x2048xf32, #tpu.memory_space<vmem>>
    %dma_wait3A_1237 = arith.constant 0 : i32
    %dma_wait3A_1238 = tpu.memref_slice %arg3[%dma_wait3A_1231, %add3A_1229, %dma_wait3A_1237] : memref<1x8192x2048xf32, #tpu.memory_space<hbm>> -> memref<1x16x2048xf32, #tpu.memory_space<hbm>>
    %dma_wait3A_1239 = tpu.memref_squeeze %dma_wait3A_1238 : memref<1x16x2048xf32, #tpu.memory_space<hbm>> -> memref<16x2048xf32, #tpu.memory_space<hbm>>
    %dma_wait3A_1240 = tpu.memref_slice %arg6[%dma_wait3A_1232] : memref<3x!tpu.dma_semaphore, #tpu.memory_space<semaphore_mem>> -> memref<1x!tpu.dma_semaphore, #tpu.memory_space<semaphore_mem>>
    %dma_wait3A_1241 = tpu.memref_squeeze %dma_wait3A_1240 : memref<1x!tpu.dma_semaphore, #tpu.memory_space<semaphore_mem>> -> memref<!tpu.dma_semaphore, #tpu.memory_space<semaphore_mem>>
    %dma_wait3A_1242 = arith.constant 0 : i32
    %dma_wait3A_1243 = tpu.memref_slice %arg3[%dma_wait3A_1231, %add3A_1229, %dma_wait3A_1242] : memref<1x8192x2048xf32, #tpu.memory_space<hbm>> -> memref<1x16x2048xf32, #tpu.memory_space<hbm>>
    %dma_wait3A_1244 = tpu.memref_squeeze %dma_wait3A_1243 : memref<1x16x2048xf32, #tpu.memory_space<hbm>> -> memref<16x2048xf32, #tpu.memory_space<hbm>>
    %dma_wait3A_1245 = arith.constant 0 : i32
    %dma_wait3A_1246 = arith.constant 0 : i32
    %dma_wait3A_1247 = tpu.memref_slice %arg4[%dma_wait3A_1230, %dma_wait3A_1245, %dma_wait3A_1246] : memref<3x16x2048xf32, #tpu.memory_space<vmem>> -> memref<1x16x2048xf32, #tpu.memory_space<vmem>>
    %dma_wait3A_1248 = tpu.memref_squeeze %dma_wait3A_1247 : memref<1x16x2048xf32, #tpu.memory_space<vmem>> -> memref<16x2048xf32, #tpu.memory_space<vmem>>
    tpu.wait_dma2 semaphore(%dma_wait3A_1241 : memref<!tpu.dma_semaphore, #tpu.memory_space<semaphore_mem>>) src(%dma_wait3A_1248 : memref<16x2048xf32, #tpu.memory_space<vmem>>) dst(%dma_wait3A_1244 : memref<16x2048xf32, #tpu.memory_space<hbm>>)
    return
  }
}

</mosaic_0001>

<sc_bundles>
// kernel: kernel.3.cloned.1.call-start
scs
__scs_entry_jumppad:
0x0: {  	(pc) =	sbr.rel $0x88, $3  }
0x1: {  	(tag) =	ssettag $0x0;
	lr =	simm.s32 $0x1  }
0x2: {  	[smem:$0x3FA0] =	sst lr;
	_ =	strace $0xD0000000  }
0x3: {  	_ = 	snop  }
0x4: {  	_ = 	snop  }
0x5: {  	_ = 	snop  }
0x6: {  	_ = 	snop  }
0x7: {  	_ = 	snop  }
__scs_overlays_trampoline_lowered:
0x8: {  	[smem:$0x3FAF] =	sst s0  }
0x9: {  	[smem:$0x3FB0] =	sst s1  }
0xa: {  	[smem:$0x3FB1] =	sst s2  }
0xb: {  	[smem:$0x3FB2] =	sst s3  }
0xc: {  	[smem:$0x3FB3] =	sst s4  }
0xd: {  	[smem:$0x3FB4] =	sst s5  }
0xe: {  	[smem:$0x3FB5] =	sst s6  }
0xf: {  	[smem:$0x3FB6] =	sst s7  }
0x10: {  	[smem:$0x3FB7] =	sst s8  }
0x11: {  	[smem:$0x3FB8] =	sst s9;
	s0 =	simm.s32 @!p0 $0x0  }
0x12: {  	s1 =	sld [smem:$0x3F9E];
	s0 =	simm.s32 @p0 $0x1  }
0x13: {  	[smem:$0x3FB9] =	sst s0;
	s0 =	simm.s32 @!p1 $0x0  }
0x14: {  	s2 =	sld [smem:$0x3F9D];
	s0 =	simm.s32 @p1 $0x1  }
0x15: {  	[smem:$0x3FBA] =	sst s0;
	s0 =	simm.s32 @!p2 $0x0  }
0x16: {  	s3 =	sld [smem:$0x3FDB];
	s0 =	simm.s32 @p2 $0x1  }
0x17: {  	s4 =	simm.s32 $0x1BF5;
	[smem:$0x3FBC] =	sst s0  }
0x18: {  	s0 =	sld [smem:$0x3F9F];
	_ =	swait.ge [sflag:s4], $0x0  }
0x19: {  	s7 =	sld [smem:$0x3FA0]  }
0x1a: {  	s8 =	sadd.s32 $0xFFFFE003, lr  }
0x1b: {  	s9 =	sadd.s32 $0xFFFFFEF7, lr;
	s5 =	simm.s32 $0xFFFFFFFF;
	p2 =	slt.u32 s8, $0xFFFFF086  }
0x1c: {  	p1 =	slt.u32 s9, $0xF7A;
	s5 =	simm.s32 @!p2 $0x0  }
0x1d: {  	s5 =	simm.s32 @p1 $0x1;
	p0 =	seq.s32 s7, s2  }
0x1e: {  	s7 =	smul.u32 @!p0 $0xF7A, s2;
	p2 =	seq.s32 @!p0 s5, $0x0  }
0x1f: {  	s9 =	smul.u32 $0xF7A, s1;
	s8 =	simm.s32 @!p0 $0x1BF5;
	p2 =	por !p2, p0  }
0x20: {  	[sflag:s8] =	ssyncset.s32 @!p0 $0xFFFFF086;
	s6 =	sadd.s32 @!p0 s3, s7;
	s7 =	simm.s32 @!p0 $0x108  }
0x21: {  	s3 =	sadd.s32 s3, s9;
	s6 =	sadd.s32 @!p0 $0x88, s6;
	s7 =	simm.s32 @p2 $0x1082  }
0x22: {  	[simem:s7], [sflag:s8] =	dma.local @!p0 [hbm:s6], $0xF7A  }
0x23: {  	s9 =	sor.u32 $0xD0000000, s2;
	s6 =	simm.s32 $0x108;
	_ =	swait.ge @!p0 [sflag:s8], $0x0  }
0x24: {  	s3 =	sadd.s32 $0x88, s3;
	s6 =	simm.s32 @!p1 $0x1082;
	[sflag:s4] =	ssyncset.s32 $0xFFFFF086  }
0x25: {  	[simem:s6], [sflag:s4] =	dma.local [hbm:s3], $0xF7A  }
0x26: {  	[smem:$0x3FA0] =	sst s1;
	(tag) =	ssettag s2;
	_ =	strace s9  }
0x27: {  	s1 =	sld [smem:$0x3FB0]  }
0x28: {  	s2 =	sld [smem:$0x3FB1]  }
0x29: {  	s4 =	sld [smem:$0x3FB3]  }
0x2a: {  	p0 =	seq.s32 s5, $0x0;
	s5 =	sld [smem:$0x3FB4]  }
0x2b: {  	s6 =	sld [smem:$0x3FB5]  }
0x2c: {  	s7 =	sld [smem:$0x3FB6]  }
0x2d: {  	s3 =	simm.s32 $0x108;
	s8 =	sld [smem:$0x3FB7]  }
0x2e: {  	s3 =	simm.s32 @!p0 $0x1082;
	s9 =	sld [smem:$0x3FB8]  }
0x2f: {  	lr =	sadd.s32 s0, s3;
	s0 =	sld [smem:$0x3FAF]  }
0x30: {  	s3 =	sld [smem:$0x3FB2]  }
0x31: {  	[smem:$0x3FBB] =	sst s10  }
0x32: {  	s10 =	sld [smem:$0x3FB9];
	_ =	sdelay $0x3  }
0x33: {  	p0 =	seq.s32 s10, $0x1;
	s10 =	sld [smem:$0x3FBB];
	_ =	sdelay $0x3  }
0x34: {  	[smem:$0x3FBB] =	sst s10  }
0x35: {  	s10 =	sld [smem:$0x3FBA];
	_ =	sdelay $0x3  }
0x36: {  	p1 =	seq.s32 s10, $0x1;
	s10 =	sld [smem:$0x3FBB];
	_ =	sdelay $0x3  }
0x37: {  	[smem:$0x3FBB] =	sst s10  }
0x38: {  	s10 =	sld [smem:$0x3FBC]  }
0x39: {  	_ = 	snop;
	(pc) =	sbr.ind lr, $3  }
0x3a: {  	_ = 	snop  }
0x3b: {  	_ = 	snop  }
0x3c: {  	p2 =	seq.s32 s10, $0x1;
	s10 =	sld [smem:$0x3FBB]  }
0x3d: {  	_ =	shalt  }
0x3e: {  	_ =	shalt  }
0x3f: {  	_ =	shalt  }
0x40: {  	_ =	shalt  }
0x41: {  	_ =	shalt  }
0x42: {  	_ =	shalt  }
0x43: {  	_ =	shalt  }
0x44: {  	_ =	shalt  }
0x45: {  	_ =	shalt  }
0x46: {  	_ =	shalt  }
0x47: {  	_ =	shalt  }
0x48: {  	_ =	shalt  }
0x49: {  	_ =	shalt  }
0x4a: {  	_ =	shalt  }
0x4b: {  	_ =	shalt  }
0x4c: {  	_ =	shalt  }
0x4d: {  	_ =	shalt  }
0x4e: {  	_ =	shalt  }
0x4f: {  	_ =	shalt  }
0x50: {  	_ =	shalt  }
0x51: {  	_ =	shalt  }
0x52: {  	_ =	shalt  }
0x53: {  	_ =	shalt  }
0x54: {  	_ =	shalt  }
0x55: {  	_ =	shalt  }
0x56: {  	_ =	shalt  }
0x57: {  	_ =	shalt  }
0x58: {  	_ =	shalt  }
0x59: {  	_ =	shalt  }
0x5a: {  	_ =	shalt  }
0x5b: {  	_ =	shalt  }
0x5c: {  	_ =	shalt  }
0x5d: {  	_ =	shalt  }
0x5e: {  	_ =	shalt  }
0x5f: {  	_ =	shalt  }
0x60: {  	_ =	shalt  }
0x61: {  	_ =	shalt  }
0x62: {  	_ =	shalt  }
0x63: {  	_ =	shalt  }
0x64: {  	_ =	shalt  }
0x65: {  	_ =	shalt  }
0x66: {  	_ =	shalt  }
0x67: {  	_ =	shalt  }
0x68: {  	_ =	shalt  }
0x69: {  	_ =	shalt  }
0x6a: {  	_ =	shalt  }
0x6b: {  	_ =	shalt  }
0x6c: {  	_ =	shalt  }
0x6d: {  	_ =	shalt  }
0x6e: {  	_ =	shalt  }
0x6f: {  	_ =	shalt  }
0x70: {  	_ =	shalt  }
0x71: {  	_ =	shalt  }
0x72: {  	_ =	shalt  }
0x73: {  	_ =	shalt  }
0x74: {  	_ =	shalt  }
0x75: {  	_ =	shalt  }
0x76: {  	_ =	shalt  }
0x77: {  	_ =	shalt  }
0x78: {  	_ =	shalt  }
0x79: {  	_ =	shalt  }
0x7a: {  	_ =	shalt  }
0x7b: {  	_ =	shalt  }
0x7c: {  	_ =	shalt  }
0x7d: {  	_ =	shalt  }
0x7e: {  	_ =	shalt  }
0x7f: {  	_ =	shalt  }
0x80: {  	_ =	shalt  }
0x81: {  	_ =	shalt  }
0x82: {  	_ =	shalt  }
0x83: {  	_ =	shalt  }
0x84: {  	_ =	shalt  }
0x85: {  	_ =	shalt  }
0x86: {  	_ =	shalt  }
0x87: {  	_ =	shalt  }
.Lfunc_end0:
.L_simem_size_0:
called_computation_lowered:
.L_overlay_start_0:
0x88: {  	s2 =	sld [smem:$0x3FD9]  }
0x89: {  	s3 =	sld [smem:$0x3FFE];
	_ =	sdelay $0x1  }
0x8a: {  	s1 =	srdreg.scid  }
0x8b: {  	s0 =	sand.u32 $0x1, s1  }
0x8c: {  	s18 =	sshll.u32 s0, $0xA;
	s2 =	sadd.s32 s3, s2  }
0x8d: {  	s2 =	sadd.s32 s2, s18  }
0x8e: {  	[smem:$0x3FC7] =	sst s2  }
0x8f: {  	_ = 	snop  }
0x90: {  	s2 =	sld [smem:$0x3FC9]  }
0x91: {  	s19 =	sld [smem:$0x3FD0];
	(tm) =	ssettm $0x1  }
0x92: {  	s4 =	sld [smem:$0x3FFB];
	_ =	sdelay $0x3  }
0x93: {  	_ =	strace s4  }
0x94: {  	s4 =	sld [smem:$0x3FFC];
	_ =	sdelay $0x3  }
0x95: {  	_ =	strace s4  }
0x96: {  	s4 =	sld [smem:$0x3FFD];
	_ =	sdelay $0x3  }
0x97: {  	_ =	strace s4  }
0x98: {  	_ =	strace $0x8FFFFFFF  }
0x99: {  	s20 =	sld [smem:$0x3FDB];
	_ =	sdelay $0x1  }
0x9a: {  	s5 =	simm.s32 $_scs_section_size  }
0x9b: {  	s6 =	simm.s32 $_size__tile_overlayer_lowered;
	s7 =	simm.s32 $_tile_overlayer_lowered  }
0x9c: {  	s23 =	simm.s32 $0x1BFF;
	s22 =	sshll.u32 s7, $0x1;
	s4 =	sadd.s32 s5, s20  }
0x9d: {  	s8 =	simm.s32 $0x0;
	s21 =	sshll.u32 s6, $0x1;
	s6 =	sadd.s32 s22, s4  }
0x9e: {  	[timem:s8], [sflag:s23] =	dma.local [hbm:s6], s21  }
0x9f: {  	_ =	swait.ge [sflag:s23], s21  }
0xa0: {  	s5 =	ssub.s32 $0x0, s21;
	[sflag:s23] =	ssyncset.done $0x0  }
0xa1: {  	[sflag:s23] =	ssyncadd.s32 s5;
	_ =	sdelay $0x1  }
0xa2: {  	s24 =	simm.s32 $0x1B8B  }
0xa3: {  	_ =	swait.ge [sflag:s24], $0x1  }
0xa4: {  	[sflag:s24] =	ssyncset.done $0x0  }
0xa5: {  	s25 =	simm.s32 $0x1B8E;
	[sflag:s24] =	ssyncadd.s32 $0xFFFFFFFF  }
0xa6: {  	s26 =	simm.s32 $execute0_lowered;
	[smem:$0x3FD2] =	sst s25  }
0xa7: {  	s5 =	sshll.u32 s26, $0x1;
	_ =	strace $0x80000046;
	[dreg:$0x1] =	wrdreg $0xFFFFFFFF  }
0xa8: {  	s28 =	simm.s32 $_size_execute0_lowered;
	s4 =	sadd.s32 s4, s5;
	[dreg:$0x0] =	wrdreg $0x0  }
0xa9: {  	s5 =	sshll.u32 s28, $0x1;
	[dreg:$0x2] =	wrdreg s4  }
0xaa: {  	[dreg:$0x3] =	wrdreg s5  }
0xab: {  	[dreg:$0x4] =	wrdreg $0xC0  }
0xac: {  	_ =	task [dreg:s8], $0x5FFFF  }
0xad: {  	[dreg:$0x1] =	wrdreg $0xFFFFFFFF  }
0xae: {  	[dreg:$0x0] =	wrdreg $0x60  }
0xaf: {  	[dreg:$0x2] =	wrdreg s2  }
0xb0: {  	[dreg:$0x3] =	wrdreg s19  }
0xb1: {  	[dreg:$0x4] =	wrdreg $0x9  }
0xb2: {  	_ =	task.clear_ibuf [dreg:s8], $0x5FFFF;
	_ =	strace $0x90000046  }
0xb3: {  	s29 =	simm.s32 $0x9;
	_ =	strace $0x80000048  }
0xb4: {  	_ =	swait.ge [sflag:s29], $0x1  }
0xb5: {  	[sflag:s29] =	ssyncadd.s32 $0xFFFFFFFF  }
0xb6: {  	_ =	strace $0x90000048  }
0xb7: {  	_ =	sfence  }
0xb8: {  	s30 =	sld [smem:$0x0];
	_ =	sdelay $0x2  }
0xb9: {  	s31 =	sshll.u32 s1, $0xD;
	s1 =	sshrl.u32 s1, $0x2  }
0xba: {  	s3 =	sand.u32 $0x4000, s31;
	s1 =	sadd.s32 s1, s30  }
0xbb: {  	s0 =	sor.u32 s3, s0;
	s1 =	sshll.u32 s1, $0x11  }
0xbc: {  	s0 =	sor.u32 s1, s0  }
0xbd: {  	s0 =	sadd.s32 $0x8F2B, s0  }
0xbe: {  	[sflag:s0] =	ssyncadd.remote.s32 $0x1  }
0xbf: {  	_ =	sfence.sel $0xFFFF  }
0xc0: {  	[dreg:$0x0] =	wrdreg $0xFFFFFFFF;
	(pc) =	sbr.abs _section_cstart, $3  }
0xc1: {  	[dreg:$0x1] =	wrdreg $0xFFFFFFFF  }
0xc2: {  	_ =	task.clear_ibuf [dreg:s8], $0x2FFFF;
	_ =	strace $0x9FFFFFFF  }
0xc3: {  	(tm) =	ssettm $0x7FFFFFFF  }
tec
execute0_lowered:
.L_overlay_start_1:
0x0: {  	(tag) =	ssettag $0x1  }
0x1: {  	s28 =	rddreg [dreg:$0x0];
	s0 =	srdreg.scid  }
0x2: {  	s3 =	stileid.u32;
	s2 =	simm.s32 $0x0;
	s0 =	sand.u32 $0x1, s0  }
0x3: {  	s3 =	sshll.u32 s3, $0xD;
	[smem:$0x7FF] =	sst s2;
	s4 =	sshll.u32 s0, $0xC  }
0x4: {  	[dreg:$0x10] =	wrdreg s0;
	s29 =	sor.u32 s4, s3  }
0x5: {  	s1 =	rddreg [dreg:$0x1];
	_ =	strace $0x80000047;
	s3 =	sadd.s32 s28, s29  }
0x6: {  	s4 =	sor.u32 $0x20000, s29;
	s9 =	sadd.s32 s1, s29;
	[dreg:$0x3] =	wrdreg s3  }
0x7: {  	s5 =	sor.u32 $0x40000, s29;
	s7 =	sadd.s32 s28, s4;
	[dreg:$0x6] =	wrdreg s9  }
0x8: {  	s6 =	sor.u32 $0x60000, s29;
	s8 =	sadd.s32 s28, s5;
	[dreg:$0x4] =	wrdreg s7  }
0x9: {  	s10 =	sadd.s32 s28, s6;
	[dreg:$0x5] =	wrdreg s8  }
0xa: {  	s12 =	sor.u32 $0x80000, s29;
	s11 =	sadd.s32 s1, s4;
	[dreg:$0x7] =	wrdreg s10  }
0xb: {  	s13 =	sadd.s32 s28, s12;
	[dreg:$0x8] =	wrdreg s11  }
0xc: {  	s15 =	sor.u32 $0xA0000, s29;
	s14 =	sadd.s32 s1, s5;
	[dreg:$0x9] =	wrdreg s13  }
0xd: {  	s16 =	sadd.s32 s28, s15;
	[dreg:$0xa] =	wrdreg s14  }
0xe: {  	s17 =	sadd.s32 s1, s6;
	[dreg:$0xb] =	wrdreg s16  }
0xf: {  	[dreg:$0xc] =	wrdreg s17  }
0x10: {  	s4 =	sadd.s32 s1, s12;
	s19 =	rddreg [dreg:$0x3]  }
0x11: {  	[dreg:$0xe] =	wrdreg s4  }
0x12: {  	s14 =	sor.u32 $0xC0000, s29;
	s20 =	rddreg [dreg:$0x4]  }
0x13: {  	[tilespmem:s2], [sflag:$0x1] =	stream.linear.gather [hbm4b:s19+s2], $0x8000, $0x38;
	[tilespmem:$0x18000] =	vst v63  }
0x14: {  	s3 =	simm.s32 $0x8000;
	s18 =	sadd.s32 s28, s14;
	s7 =	rddreg [dreg:$0x5]  }
0x15: {  	[tilespmem:s3], [sflag:$0x2] =	stream.linear.gather [hbm4b:s20+s2], $0x8000, $0x38;
	[tilespmem:$0x18000] =	vst v63  }
0x16: {  	s5 =	simm.s32 $0x1;
	s4 =	simm.s32 $0x10000;
	[dreg:$0xd] =	wrdreg s18  }
0x17: {  	[tilespmem:s4], [sflag:$0x3] =	stream.linear.gather [hbm4b:s7+s2], $0x8000, $0x38;
	[tilespmem:$0x18000] =	vst v63  }
0x18: {  	_ =	swait.ge [sflag:s5], $0x8000  }
0x19: {  	[sflag:s5] =	ssyncset.done $0x0  }
0x1a: {  	s6 =	simm.s32 $0x4;
	s21 =	rddreg [dreg:$0x6];
	[sflag:s5] =	ssyncadd.s32 $0xFFFF8000  }
0x1b: {  	[hbm4b:s21+s2] =	stream.linear.scatter [tilespmem:s2], [sflag:$0x4], $0x8000, $0x38;
	[tilespmem:$0x18000] =	vst v63  }
0x1c: {  	_ =	swait.ge [sflag:s6], $0x8000  }
0x1d: {  	[sflag:s6] =	ssyncset.done $0x0  }
0x1e: {  	s7 =	simm.s32 $0x2;
	s8 =	rddreg [dreg:$0x7];
	[sflag:s6] =	ssyncadd.s32 $0xFFFF8000  }
0x1f: {  	[tilespmem:s2], [sflag:$0x1] =	stream.linear.gather [hbm4b:s8+s2], $0x8000, $0x38;
	[tilespmem:$0x18000] =	vst v63  }
0x20: {  	_ =	swait.ge [sflag:s7], $0x8000  }
0x21: {  	[sflag:s7] =	ssyncset.done $0x0  }
0x22: {  	s8 =	simm.s32 $0x5;
	s9 =	rddreg [dreg:$0x8];
	[sflag:s7] =	ssyncadd.s32 $0xFFFF8000  }
0x23: {  	[hbm4b:s9+s2] =	stream.linear.scatter [tilespmem:s3], [sflag:$0x5], $0x8000, $0x38;
	[tilespmem:$0x18000] =	vst v63  }
0x24: {  	_ =	swait.ge [sflag:s8], $0x8000  }
0x25: {  	[sflag:s8] =	ssyncset.done $0x0  }
0x26: {  	s9 =	simm.s32 $0x3;
	s10 =	rddreg [dreg:$0x9];
	[sflag:s8] =	ssyncadd.s32 $0xFFFF8000  }
0x27: {  	[tilespmem:s3], [sflag:$0x2] =	stream.linear.gather [hbm4b:s10+s2], $0x8000, $0x38;
	[tilespmem:$0x18000] =	vst v63  }
0x28: {  	_ =	swait.ge [sflag:s9], $0x8000  }
0x29: {  	[sflag:s9] =	ssyncset.done $0x0  }
0x2a: {  	s10 =	simm.s32 $0x6;
	s11 =	rddreg [dreg:$0xa];
	[sflag:s9] =	ssyncadd.s32 $0xFFFF8000  }
0x2b: {  	[hbm4b:s11+s2] =	stream.linear.scatter [tilespmem:s4], [sflag:$0x6], $0x8000, $0x38;
	[tilespmem:$0x18000] =	vst v63  }
0x2c: {  	_ =	swait.ge [sflag:s10], $0x8000  }
0x2d: {  	[sflag:s10] =	ssyncset.done $0x0  }
0x2e: {  	s22 =	rddreg [dreg:$0xb];
	[sflag:s10] =	ssyncadd.s32 $0xFFFF8000  }
0x2f: {  	[tilespmem:s4], [sflag:$0x3] =	stream.linear.gather [hbm4b:s22+s2], $0x8000, $0x38;
	[tilespmem:$0x18000] =	vst v63  }
0x30: {  	_ =	swait.ge [sflag:s5], $0x8000  }
0x31: {  	[sflag:s5] =	ssyncset.done $0x0  }
0x32: {  	s23 =	rddreg [dreg:$0xc];
	[sflag:s5] =	ssyncadd.s32 $0xFFFF8000  }
0x33: {  	[hbm4b:s23+s2] =	stream.linear.scatter [tilespmem:s2], [sflag:$0x4], $0x8000, $0x38;
	[tilespmem:$0x18000] =	vst v63  }
0x34: {  	_ =	swait.ge [sflag:s6], $0x8000  }
0x35: {  	[sflag:s6] =	ssyncset.done $0x0  }
0x36: {  	s24 =	rddreg [dreg:$0xd];
	[sflag:s6] =	ssyncadd.s32 $0xFFFF8000  }
0x37: {  	[tilespmem:s2], [sflag:$0x1] =	stream.linear.gather [hbm4b:s24+s2], $0x8000, $0x38;
	[tilespmem:$0x18000] =	vst v63  }
0x38: {  	_ =	swait.ge [sflag:s7], $0x8000  }
0x39: {  	[sflag:s7] =	ssyncset.done $0x0  }
0x3a: {  	s25 =	rddreg [dreg:$0xe];
	[sflag:s7] =	ssyncadd.s32 $0xFFFF8000  }
0x3b: {  	[hbm4b:s25+s2] =	stream.linear.scatter [tilespmem:s3], [sflag:$0x5], $0x8000, $0x38;
	[tilespmem:$0x18000] =	vst v63  }
0x3c: {  	s16 =	sor.u32 $0xE0000, s29;
	_ =	swait.ge [sflag:s8], $0x8000  }
0x3d: {  	s26 =	sadd.s32 s28, s16;
	[sflag:s8] =	ssyncset.done $0x0  }
0x3e: {  	[dreg:$0xf] =	wrdreg s26;
	[sflag:s8] =	ssyncadd.s32 $0xFFFF8000  }
0x3f: {  	[tilespmem:s3], [sflag:$0x2] =	stream.linear.gather [hbm4b:s26+s2], $0x8000, $0x38;
	[tilespmem:$0x18000] =	vst v63  }
0x40: {  	_ =	swait.ge [sflag:s9], $0x8000  }
0x41: {  	[sflag:s9] =	ssyncset.done $0x0  }
0x42: {  	s0 =	sadd.s32 s1, s15;
	[sflag:s9] =	ssyncadd.s32 $0xFFFF8000  }
0x43: {  	[hbm4b:s0+s2] =	stream.linear.scatter [tilespmem:s4], [sflag:$0x6], $0x8000, $0x38;
	[tilespmem:$0x18000] =	vst v63  }
0x44: {  	_ =	swait.ge [sflag:s10], $0x8000  }
0x45: {  	s18 =	sor.u32 $0x100000, s29;
	[sflag:s10] =	ssyncset.done $0x0  }
0x46: {  	s13 =	sadd.s32 s28, s18;
	[sflag:s10] =	ssyncadd.s32 $0xFFFF8000  }
0x47: {  	[tilespmem:s4], [sflag:$0x3] =	stream.linear.gather [hbm4b:s13+s2], $0x8000, $0x38;
	[tilespmem:$0x18000] =	vst v63  }
0x48: {  	_ =	swait.ge [sflag:s5], $0x8000  }
0x49: {  	[sflag:s5] =	ssyncset.done $0x0  }
0x4a: {  	s14 =	sadd.s32 s1, s14;
	[sflag:s5] =	ssyncadd.s32 $0xFFFF8000  }
0x4b: {  	[hbm4b:s14+s2] =	stream.linear.scatter [tilespmem:s2], [sflag:$0x4], $0x8000, $0x38;
	[tilespmem:$0x18000] =	vst v63  }
0x4c: {  	_ =	swait.ge [sflag:s6], $0x8000  }
0x4d: {  	s20 =	sor.u32 $0x120000, s29;
	[sflag:s6] =	ssyncset.done $0x0  }
0x4e: {  	s15 =	sadd.s32 s28, s20;
	[sflag:s6] =	ssyncadd.s32 $0xFFFF8000  }
0x4f: {  	[tilespmem:s2], [sflag:$0x1] =	stream.linear.gather [hbm4b:s15+s2], $0x8000, $0x38;
	[tilespmem:$0x18000] =	vst v63  }
0x50: {  	_ =	swait.ge [sflag:s7], $0x8000  }
0x51: {  	[sflag:s7] =	ssyncset.done $0x0  }
0x52: {  	s16 =	sadd.s32 s1, s16;
	[sflag:s7] =	ssyncadd.s32 $0xFFFF8000  }
0x53: {  	[hbm4b:s16+s2] =	stream.linear.scatter [tilespmem:s3], [sflag:$0x5], $0x8000, $0x38;
	[tilespmem:$0x18000] =	vst v63  }
0x54: {  	_ =	swait.ge [sflag:s8], $0x8000  }
0x55: {  	s22 =	sor.u32 $0x140000, s29;
	[sflag:s8] =	ssyncset.done $0x0  }
0x56: {  	s17 =	sadd.s32 s28, s22;
	[sflag:s8] =	ssyncadd.s32 $0xFFFF8000  }
0x57: {  	[tilespmem:s3], [sflag:$0x2] =	stream.linear.gather [hbm4b:s17+s2], $0x8000, $0x38;
	[tilespmem:$0x18000] =	vst v63  }
0x58: {  	_ =	swait.ge [sflag:s9], $0x8000  }
0x59: {  	[sflag:s9] =	ssyncset.done $0x0  }
0x5a: {  	s18 =	sadd.s32 s1, s18;
	[sflag:s9] =	ssyncadd.s32 $0xFFFF8000  }
0x5b: {  	[hbm4b:s18+s2] =	stream.linear.scatter [tilespmem:s4], [sflag:$0x6], $0x8000, $0x38;
	[tilespmem:$0x18000] =	vst v63  }
0x5c: {  	_ =	swait.ge [sflag:s10], $0x8000  }
0x5d: {  	s24 =	sor.u32 $0x160000, s29;
	[sflag:s10] =	ssyncset.done $0x0  }
0x5e: {  	s19 =	sadd.s32 s28, s24;
	[sflag:s10] =	ssyncadd.s32 $0xFFFF8000  }
0x5f: {  	[tilespmem:s4], [sflag:$0x3] =	stream.linear.gather [hbm4b:s19+s2], $0x8000, $0x38;
	[tilespmem:$0x18000] =	vst v63  }
0x60: {  	_ =	swait.ge [sflag:s5], $0x8000  }
0x61: {  	[sflag:s5] =	ssyncset.done $0x0  }
0x62: {  	s20 =	sadd.s32 s1, s20;
	[sflag:s5] =	ssyncadd.s32 $0xFFFF8000  }
0x63: {  	[hbm4b:s20+s2] =	stream.linear.scatter [tilespmem:s2], [sflag:$0x4], $0x8000, $0x38;
	[tilespmem:$0x18000] =	vst v63  }
0x64: {  	_ =	swait.ge [sflag:s6], $0x8000  }
0x65: {  	s26 =	sor.u32 $0x180000, s29;
	[sflag:s6] =	ssyncset.done $0x0  }
0x66: {  	s21 =	sadd.s32 s28, s26;
	[sflag:s6] =	ssyncadd.s32 $0xFFFF8000  }
0x67: {  	[tilespmem:s2], [sflag:$0x1] =	stream.linear.gather [hbm4b:s21+s2], $0x8000, $0x38;
	[tilespmem:$0x18000] =	vst v63  }
0x68: {  	_ =	swait.ge [sflag:s7], $0x8000  }
0x69: {  	[sflag:s7] =	ssyncset.done $0x0  }
0x6a: {  	s22 =	sadd.s32 s1, s22;
	[sflag:s7] =	ssyncadd.s32 $0xFFFF8000  }
0x6b: {  	[hbm4b:s22+s2] =	stream.linear.scatter [tilespmem:s3], [sflag:$0x5], $0x8000, $0x38;
	[tilespmem:$0x18000] =	vst v63  }
0x6c: {  	_ =	swait.ge [sflag:s8], $0x8000  }
0x6d: {  	s30 =	sor.u32 $0x1A0000, s29;
	[sflag:s8] =	ssyncset.done $0x0  }
0x6e: {  	s23 =	sadd.s32 s28, s30;
	[sflag:s8] =	ssyncadd.s32 $0xFFFF8000  }
0x6f: {  	[tilespmem:s3], [sflag:$0x2] =	stream.linear.gather [hbm4b:s23+s2], $0x8000, $0x38;
	[tilespmem:$0x18000] =	vst v63  }
0x70: {  	_ =	swait.ge [sflag:s9], $0x8000  }
0x71: {  	[sflag:s9] =	ssyncset.done $0x0  }
0x72: {  	s24 =	sadd.s32 s1, s24;
	[sflag:s9] =	ssyncadd.s32 $0xFFFF8000  }
0x73: {  	[hbm4b:s24+s2] =	stream.linear.scatter [tilespmem:s4], [sflag:$0x6], $0x8000, $0x38;
	[tilespmem:$0x18000] =	vst v63  }
0x74: {  	_ =	swait.ge [sflag:s10], $0x8000  }
0x75: {  	s31 =	sor.u32 $0x1C0000, s29;
	[sflag:s10] =	ssyncset.done $0x0  }
0x76: {  	s25 =	sadd.s32 s28, s31;
	[sflag:s10] =	ssyncadd.s32 $0xFFFF8000  }
0x77: {  	[tilespmem:s4], [sflag:$0x3] =	stream.linear.gather [hbm4b:s25+s2], $0x8000, $0x38;
	[tilespmem:$0x18000] =	vst v63  }
0x78: {  	_ =	swait.ge [sflag:s5], $0x8000  }
0x79: {  	[sflag:s5] =	ssyncset.done $0x0  }
0x7a: {  	s26 =	sadd.s32 s1, s26;
	[sflag:s5] =	ssyncadd.s32 $0xFFFF8000  }
0x7b: {  	[hbm4b:s26+s2] =	stream.linear.scatter [tilespmem:s2], [sflag:$0x4], $0x8000, $0x38;
	[tilespmem:$0x18000] =	vst v63  }
0x7c: {  	_ =	swait.ge [sflag:s6], $0x8000  }
0x7d: {  	s11 =	sor.u32 $0x1E0000, s29;
	[sflag:s6] =	ssyncset.done $0x0  }
0x7e: {  	s28 =	sadd.s32 s28, s11;
	[sflag:s6] =	ssyncadd.s32 $0xFFFF8000  }
0x7f: {  	[tilespmem:s2], [sflag:$0x1] =	stream.linear.gather [hbm4b:s28+s2], $0x8000, $0x38;
	[tilespmem:$0x18000] =	vst v63  }
0x80: {  	_ =	swait.ge [sflag:s7], $0x8000  }
0x81: {  	[sflag:s7] =	ssyncset.done $0x0  }
0x82: {  	s29 =	sadd.s32 s1, s30;
	[sflag:s7] =	ssyncadd.s32 $0xFFFF8000  }
0x83: {  	[hbm4b:s29+s2] =	stream.linear.scatter [tilespmem:s3], [sflag:$0x5], $0x8000, $0x38;
	[tilespmem:$0x18000] =	vst v63  }
0x84: {  	_ =	swait.ge [sflag:s9], $0x8000  }
0x85: {  	[sflag:s9] =	ssyncset.done $0x0  }
0x86: {  	s30 =	sadd.s32 s1, s31;
	[sflag:s9] =	ssyncadd.s32 $0xFFFF8000  }
0x87: {  	[hbm4b:s30+s2] =	stream.linear.scatter [tilespmem:s4], [sflag:$0x6], $0x8000, $0x38;
	[tilespmem:$0x18000] =	vst v63  }
0x88: {  	_ =	swait.ge [sflag:s5], $0x8000  }
0x89: {  	[sflag:s5] =	ssyncset.done $0x0  }
0x8a: {  	s31 =	sadd.s32 s1, s11;
	[sflag:s5] =	ssyncadd.s32 $0xFFFF8000  }
0x8b: {  	[hbm4b:s31+s2] =	stream.linear.scatter [tilespmem:s2], [sflag:$0x4], $0x8000, $0x38;
	[tilespmem:$0x18000] =	vst v63  }
0x8c: {  	_ =	swait.ge [sflag:s8], $0x8000  }
0x8d: {  	s1 =	rddreg [dreg:$0x10]  }
0x8e: {  	s12 =	smov.u32 s0;
	s0 =	ssub.s32 $0x2, s1  }
0x8f: {  	s11 =	sshrl.u32 s0, $0x1  }
0x90: {  	s0 =	ssub.s32 s0, s11  }
0x91: {  	s0 =	smax.u32 s0, $0x1  }
0x92: {  	[sflag:s8] =	ssyncset.done $0x0;
	p0 =	sne.s32 s0, $0x1  }
.Ltmp0:
0x93: {  	[sflag:s8] =	ssyncadd.s32 $0xFFFF8000;
	(pc) =	sbr.rel @!p0 .LBB2_2-.Ltmp0, $4  }
0x94: {  	_ =	swait.ge [sflag:s10], $0x8000  }
0x95: {  	[sflag:s10] =	ssyncset.done $0x0  }
0x96: {  	[sflag:s10] =	ssyncadd.s32 $0xFFFF8000  }
0x97: {  	s0 =	sadd.s32 $0xFFFFFFFF, s0;
	_ =	swait.ge [sflag:s6], $0x8000  }
.LBB2_1:
0x98: {  	[sflag:s6] =	ssyncset.done $0x0  }
0x99: {  	s1 =	rddreg [dreg:$0x3];
	[sflag:s6] =	ssyncadd.s32 $0xFFFF8000  }
0x9a: {  	[tilespmem:s2], [sflag:$0x1] =	stream.linear.gather [hbm4b:s1+s2], $0x8000, $0x38;
	[tilespmem:$0x18000] =	vst v63  }
0x9b: {  	s11 =	rddreg [dreg:$0x4]  }
0x9c: {  	[tilespmem:s3], [sflag:$0x2] =	stream.linear.gather [hbm4b:s11+s2], $0x8000, $0x38;
	[tilespmem:$0x18000] =	vst v63  }
0x9d: {  	s1 =	rddreg [dreg:$0x5]  }
0x9e: {  	[tilespmem:s4], [sflag:$0x3] =	stream.linear.gather [hbm4b:s1+s2], $0x8000, $0x38;
	[tilespmem:$0x18000] =	vst v63  }
0x9f: {  	_ =	swait.ge [sflag:s5], $0x8000  }
0xa0: {  	[sflag:s5] =	ssyncset.done $0x0  }
0xa1: {  	s11 =	rddreg [dreg:$0x6];
	[sflag:s5] =	ssyncadd.s32 $0xFFFF8000  }
0xa2: {  	[hbm4b:s11+s2] =	stream.linear.scatter [tilespmem:s2], [sflag:$0x4], $0x8000, $0x38;
	[tilespmem:$0x18000] =	vst v63  }
0xa3: {  	_ =	swait.ge [sflag:s6], $0x8000  }
0xa4: {  	[sflag:s6] =	ssyncset.done $0x0  }
0xa5: {  	s11 =	rddreg [dreg:$0x7];
	[sflag:s6] =	ssyncadd.s32 $0xFFFF8000  }
0xa6: {  	[tilespmem:s2], [sflag:$0x1] =	stream.linear.gather [hbm4b:s11+s2], $0x8000, $0x38;
	[tilespmem:$0x18000] =	vst v63  }
0xa7: {  	_ =	swait.ge [sflag:s7], $0x8000  }
0xa8: {  	[sflag:s7] =	ssyncset.done $0x0  }
0xa9: {  	s11 =	rddreg [dreg:$0x8];
	[sflag:s7] =	ssyncadd.s32 $0xFFFF8000  }
0xaa: {  	[hbm4b:s11+s2] =	stream.linear.scatter [tilespmem:s3], [sflag:$0x5], $0x8000, $0x38;
	[tilespmem:$0x18000] =	vst v63  }
0xab: {  	_ =	swait.ge [sflag:s8], $0x8000  }
0xac: {  	[sflag:s8] =	ssyncset.done $0x0  }
0xad: {  	s11 =	rddreg [dreg:$0x9];
	[sflag:s8] =	ssyncadd.s32 $0xFFFF8000  }
0xae: {  	[tilespmem:s3], [sflag:$0x2] =	stream.linear.gather [hbm4b:s11+s2], $0x8000, $0x38;
	[tilespmem:$0x18000] =	vst v63  }
0xaf: {  	_ =	swait.ge [sflag:s9], $0x8000  }
0xb0: {  	[sflag:s9] =	ssyncset.done $0x0  }
0xb1: {  	s11 =	rddreg [dreg:$0xa];
	[sflag:s9] =	ssyncadd.s32 $0xFFFF8000  }
0xb2: {  	[hbm4b:s11+s2] =	stream.linear.scatter [tilespmem:s4], [sflag:$0x6], $0x8000, $0x38;
	[tilespmem:$0x18000] =	vst v63  }
0xb3: {  	_ =	swait.ge [sflag:s10], $0x8000  }
0xb4: {  	[sflag:s10] =	ssyncset.done $0x0  }
0xb5: {  	s11 =	rddreg [dreg:$0xb];
	[sflag:s10] =	ssyncadd.s32 $0xFFFF8000  }
0xb6: {  	[tilespmem:s4], [sflag:$0x3] =	stream.linear.gather [hbm4b:s11+s2], $0x8000, $0x38;
	[tilespmem:$0x18000] =	vst v63  }
0xb7: {  	_ =	swait.ge [sflag:s5], $0x8000  }
0xb8: {  	[sflag:s5] =	ssyncset.done $0x0  }
0xb9: {  	s11 =	rddreg [dreg:$0xc];
	[sflag:s5] =	ssyncadd.s32 $0xFFFF8000  }
0xba: {  	[hbm4b:s11+s2] =	stream.linear.scatter [tilespmem:s2], [sflag:$0x4], $0x8000, $0x38;
	[tilespmem:$0x18000] =	vst v63  }
0xbb: {  	_ =	swait.ge [sflag:s6], $0x8000  }
0xbc: {  	[sflag:s6] =	ssyncset.done $0x0  }
0xbd: {  	s11 =	rddreg [dreg:$0xd];
	[sflag:s6] =	ssyncadd.s32 $0xFFFF8000  }
0xbe: {  	[tilespmem:s2], [sflag:$0x1] =	stream.linear.gather [hbm4b:s11+s2], $0x8000, $0x38;
	[tilespmem:$0x18000] =	vst v63  }
0xbf: {  	_ =	swait.ge [sflag:s7], $0x8000  }
0xc0: {  	[sflag:s7] =	ssyncset.done $0x0  }
0xc1: {  	s11 =	rddreg [dreg:$0xe];
	[sflag:s7] =	ssyncadd.s32 $0xFFFF8000  }
0xc2: {  	[hbm4b:s11+s2] =	stream.linear.scatter [tilespmem:s3], [sflag:$0x5], $0x8000, $0x38;
	[tilespmem:$0x18000] =	vst v63  }
0xc3: {  	_ =	swait.ge [sflag:s8], $0x8000  }
0xc4: {  	[sflag:s8] =	ssyncset.done $0x0  }
0xc5: {  	s11 =	rddreg [dreg:$0xf];
	[sflag:s8] =	ssyncadd.s32 $0xFFFF8000  }
0xc6: {  	[tilespmem:s3], [sflag:$0x2] =	stream.linear.gather [hbm4b:s11+s2], $0x8000, $0x38;
	[tilespmem:$0x18000] =	vst v63  }
0xc7: {  	_ =	swait.ge [sflag:s9], $0x8000  }
0xc8: {  	[sflag:s9] =	ssyncset.done $0x0  }
0xc9: {  	[sflag:s9] =	ssyncadd.s32 $0xFFFF8000  }
0xca: {  	[hbm4b:s12+s2] =	stream.linear.scatter [tilespmem:s4], [sflag:$0x6], $0x8000, $0x38;
	[tilespmem:$0x18000] =	vst v63  }
0xcb: {  	_ =	swait.ge [sflag:s10], $0x8000  }
0xcc: {  	[sflag:s10] =	ssyncset.done $0x0  }
0xcd: {  	[sflag:s10] =	ssyncadd.s32 $0xFFFF8000  }
0xce: {  	[tilespmem:s4], [sflag:$0x3] =	stream.linear.gather [hbm4b:s13+s2], $0x8000, $0x38;
	[tilespmem:$0x18000] =	vst v63  }
0xcf: {  	_ =	swait.ge [sflag:s5], $0x8000  }
0xd0: {  	[sflag:s5] =	ssyncset.done $0x0  }
0xd1: {  	[sflag:s5] =	ssyncadd.s32 $0xFFFF8000  }
0xd2: {  	[hbm4b:s14+s2] =	stream.linear.scatter [tilespmem:s2], [sflag:$0x4], $0x8000, $0x38;
	[tilespmem:$0x18000] =	vst v63  }
0xd3: {  	_ =	swait.ge [sflag:s6], $0x8000  }
0xd4: {  	[sflag:s6] =	ssyncset.done $0x0  }
0xd5: {  	[sflag:s6] =	ssyncadd.s32 $0xFFFF8000  }
0xd6: {  	[tilespmem:s2], [sflag:$0x1] =	stream.linear.gather [hbm4b:s15+s2], $0x8000, $0x38;
	[tilespmem:$0x18000] =	vst v63  }
0xd7: {  	_ =	swait.ge [sflag:s7], $0x8000  }
0xd8: {  	[sflag:s7] =	ssyncset.done $0x0  }
0xd9: {  	[sflag:s7] =	ssyncadd.s32 $0xFFFF8000  }
0xda: {  	[hbm4b:s16+s2] =	stream.linear.scatter [tilespmem:s3], [sflag:$0x5], $0x8000, $0x38;
	[tilespmem:$0x18000] =	vst v63  }
0xdb: {  	_ =	swait.ge [sflag:s8], $0x8000  }
0xdc: {  	[sflag:s8] =	ssyncset.done $0x0  }
0xdd: {  	[sflag:s8] =	ssyncadd.s32 $0xFFFF8000  }
0xde: {  	[tilespmem:s3], [sflag:$0x2] =	stream.linear.gather [hbm4b:s17+s2], $0x8000, $0x38;
	[tilespmem:$0x18000] =	vst v63  }
0xdf: {  	_ =	swait.ge [sflag:s9], $0x8000  }
0xe0: {  	[sflag:s9] =	ssyncset.done $0x0  }
0xe1: {  	[sflag:s9] =	ssyncadd.s32 $0xFFFF8000  }
0xe2: {  	[hbm4b:s18+s2] =	stream.linear.scatter [tilespmem:s4], [sflag:$0x6], $0x8000, $0x38;
	[tilespmem:$0x18000] =	vst v63  }
0xe3: {  	_ =	swait.ge [sflag:s10], $0x8000  }
0xe4: {  	[sflag:s10] =	ssyncset.done $0x0  }
0xe5: {  	[sflag:s10] =	ssyncadd.s32 $0xFFFF8000  }
0xe6: {  	[tilespmem:s4], [sflag:$0x3] =	stream.linear.gather [hbm4b:s19+s2], $0x8000, $0x38;
	[tilespmem:$0x18000] =	vst v63  }
0xe7: {  	_ =	swait.ge [sflag:s5], $0x8000  }
0xe8: {  	[sflag:s5] =	ssyncset.done $0x0  }
0xe9: {  	[sflag:s5] =	ssyncadd.s32 $0xFFFF8000  }
0xea: {  	[hbm4b:s20+s2] =	stream.linear.scatter [tilespmem:s2], [sflag:$0x4], $0x8000, $0x38;
	[tilespmem:$0x18000] =	vst v63  }
0xeb: {  	_ =	swait.ge [sflag:s6], $0x8000  }
0xec: {  	[sflag:s6] =	ssyncset.done $0x0  }
0xed: {  	[sflag:s6] =	ssyncadd.s32 $0xFFFF8000  }
0xee: {  	[tilespmem:s2], [sflag:$0x1] =	stream.linear.gather [hbm4b:s21+s2], $0x8000, $0x38;
	[tilespmem:$0x18000] =	vst v63  }
0xef: {  	_ =	swait.ge [sflag:s7], $0x8000  }
0xf0: {  	[sflag:s7] =	ssyncset.done $0x0  }
0xf1: {  	[sflag:s7] =	ssyncadd.s32 $0xFFFF8000  }
0xf2: {  	[hbm4b:s22+s2] =	stream.linear.scatter [tilespmem:s3], [sflag:$0x5], $0x8000, $0x38;
	[tilespmem:$0x18000] =	vst v63  }
0xf3: {  	_ =	swait.ge [sflag:s8], $0x8000  }
0xf4: {  	[sflag:s8] =	ssyncset.done $0x0  }
0xf5: {  	[sflag:s8] =	ssyncadd.s32 $0xFFFF8000  }
0xf6: {  	[tilespmem:s3], [sflag:$0x2] =	stream.linear.gather [hbm4b:s23+s2], $0x8000, $0x38;
	[tilespmem:$0x18000] =	vst v63  }
0xf7: {  	_ =	swait.ge [sflag:s9], $0x8000  }
0xf8: {  	[sflag:s9] =	ssyncset.done $0x0  }
0xf9: {  	[sflag:s9] =	ssyncadd.s32 $0xFFFF8000  }
0xfa: {  	[hbm4b:s24+s2] =	stream.linear.scatter [tilespmem:s4], [sflag:$0x6], $0x8000, $0x38;
	[tilespmem:$0x18000] =	vst v63  }
0xfb: {  	_ =	swait.ge [sflag:s10], $0x8000  }
0xfc: {  	[sflag:s10] =	ssyncset.done $0x0  }
0xfd: {  	[sflag:s10] =	ssyncadd.s32 $0xFFFF8000  }
0xfe: {  	[tilespmem:s4], [sflag:$0x3] =	stream.linear.gather [hbm4b:s25+s2], $0x8000, $0x38;
	[tilespmem:$0x18000] =	vst v63  }
0xff: {  	_ =	swait.ge [sflag:s5], $0x8000  }
0x100: {  	[sflag:s5] =	ssyncset.done $0x0  }
0x101: {  	[sflag:s5] =	ssyncadd.s32 $0xFFFF8000  }
0x102: {  	[hbm4b:s26+s2] =	stream.linear.scatter [tilespmem:s2], [sflag:$0x4], $0x8000, $0x38;
	[tilespmem:$0x18000] =	vst v63  }
0x103: {  	_ =	swait.ge [sflag:s6], $0x8000  }
0x104: {  	[sflag:s6] =	ssyncset.done $0x0  }
0x105: {  	[sflag:s6] =	ssyncadd.s32 $0xFFFF8000  }
0x106: {  	[tilespmem:s2], [sflag:$0x1] =	stream.linear.gather [hbm4b:s28+s2], $0x8000, $0x38;
	[tilespmem:$0x18000] =	vst v63  }
0x107: {  	_ =	swait.ge [sflag:s7], $0x8000  }
0x108: {  	[sflag:s7] =	ssyncset.done $0x0  }
0x109: {  	[sflag:s7] =	ssyncadd.s32 $0xFFFF8000  }
0x10a: {  	[hbm4b:s29+s2] =	stream.linear.scatter [tilespmem:s3], [sflag:$0x5], $0x8000, $0x38;
	[tilespmem:$0x18000] =	vst v63  }
0x10b: {  	_ =	swait.ge [sflag:s9], $0x8000  }
0x10c: {  	[sflag:s9] =	ssyncset.done $0x0  }
0x10d: {  	[sflag:s9] =	ssyncadd.s32 $0xFFFF8000  }
0x10e: {  	[hbm4b:s30+s2] =	stream.linear.scatter [tilespmem:s4], [sflag:$0x6], $0x8000, $0x38;
	[tilespmem:$0x18000] =	vst v63  }
0x10f: {  	_ =	swait.ge [sflag:s5], $0x8000  }
0x110: {  	[sflag:s5] =	ssyncset.done $0x0  }
0x111: {  	[sflag:s5] =	ssyncadd.s32 $0xFFFF8000  }
0x112: {  	[hbm4b:s31+s2] =	stream.linear.scatter [tilespmem:s2], [sflag:$0x4], $0x8000, $0x38;
	[tilespmem:$0x18000] =	vst v63  }
0x113: {  	_ =	swait.ge [sflag:s8], $0x8000  }
0x114: {  	p0 =	sne.s32 s0, $0x1;
	[sflag:s8] =	ssyncset.done $0x0  }
.Ltmp1:
0x115: {  	[sflag:s8] =	ssyncadd.s32 $0xFFFF8000;
	(pc) =	sbr.rel @p0 .LBB2_1-.Ltmp1, $4  }
0x116: {  	_ =	swait.ge [sflag:s10], $0x8000  }
0x117: {  	[sflag:s10] =	ssyncset.done $0x0  }
0x118: {  	[sflag:s10] =	ssyncadd.s32 $0xFFFF8000  }
0x119: {  	s0 =	sadd.s32 $0xFFFFFFFF, s0;
	_ =	swait.ge [sflag:s6], $0x8000  }
.LBB2_2:
0x11a: {  	[sflag:s6] =	ssyncset.done $0x0  }
0x11b: {  	[sflag:s6] =	ssyncadd.s32 $0xFFFF8000  }
0x11c: {  	_ =	sfence.sel $0x180000  }
0x11d: {  	[bflag:$0x0] =	sbarrier.arrive $0xFFFF  }
0x11e: {  	_ =	strace $0x90000047  }
0x11f: {  	s0 =	stileid.u32;
	[bflag:$0x2] =	sbarrier.arrive $0xFFFF  }
0x120: {  	p0 =	sne.s32 s0, $0x0;
	s0 =	rddreg [dreg:$0x2]  }
0x121: {  	s0 =	sadd.s32 @!p0 $0x100000, s0  }
0x122: {  	[sflag:s0] =	ssyncadd.tile.s32 @!p0 $0x1;
	_ =	shalt  }
.Lfunc_end2:
_tile_overlayer_lowered:
.L_overlay_start_2:
0x123: {  	(tag) =	ssettag $0x2  }
0x124: {  	s0 =	rddreg [dreg:$0x0];
	s2 =	stileid.u32  }
0x125: {  	s1 =	rddreg [dreg:$0x1];
	p0 =	sne.s32 s2, $0x0  }
0x126: {  	s3 =	rddreg [dreg:$0x2];
	[bflag:$0x3] =	sbarrier.arrive $0xFFFF;
	s2 =	simm.s32 @!p0 $0x1C07  }
0x127: {  	[timem:s3], [sflag:s2] =	dma.local @!p0 [hbm:s0], s1  }
0x128: {  	s0 =	simm.s32 @!p0 $0x7  }
0x129: {  	_ =	swait.ge @!p0 [sflag:s0], s1  }
0x12a: {  	s1 =	ssub.s32 @!p0 $0x0, s1;
	[sflag:s0] =	ssyncset.done @!p0 $0x0  }
0x12b: {  	[sflag:s0] =	ssyncadd.s32 @!p0 s1  }
0x12c: {  	[bflag:$0x3] =	sbarrier.arrive $0xFFFF  }
0x12d: {  	_ =	shalt  }

</sc_bundles>
